<compile_context>
chip_gen: v7x
topology: tpu7x:2x2x1
jax: 0.10.2.dev20260603
libtpu: 0.0.44.dev20260713+nightly
codegen_flags: <defaults>
</compile_context>

<pallas_src>
import functools

import jax
import jax.numpy as jnp
from jax import lax
from jax.experimental import pallas as pl
from jax.experimental.pallas import tpu as pltpu
from jax.experimental.pallas import tpu_sc as plsc

N = 100
K = 101
B = 16384
CSTRIDE = 136
RSTRIDE = 2 * CSTRIDE
NEG = -1e30


def _table_kernel(w0_ref, w1_ref, ew_ref, o_ref):
    w0 = w0_ref[...]
    w1 = w1_ref[...]
    ew = ew_ref[...]
    m = jnp.maximum(w0, w1)
    lse2 = m + jnp.log(jnp.exp(w0 - m) + jnp.exp(w1 - m))
    l0 = w0 - lse2
    l1 = w1 - lse2
    emax = jnp.max(ew, axis=1, keepdims=True)
    esum = jnp.sum(jnp.exp(ew - emax), axis=1, keepdims=True)
    le = ew - emax - jnp.log(esum)
    r = lax.broadcasted_iota(jnp.int32, (N - 1, N), 0)
    gm1 = lax.broadcasted_iota(jnp.int32, (N - 1, N), 1)
    valid = gm1 <= r
    o_ref[...] = jnp.zeros((N, RSTRIDE), jnp.float32)
    o_ref[0 : N - 1, 1 : K] = jnp.where(valid, l0, 0.0)
    o_ref[0 : N - 1, CSTRIDE + 1 : CSTRIDE + K] = jnp.where(valid, l1, 0.0)
    o_ref[N - 1 : N, 0:K] = le


def _build_table(W, endW):
    return pl.pallas_call(
        _table_kernel,
        out_shape=jax.ShapeDtypeStruct((N, RSTRIDE), jnp.float32),
    )(W[:, :, 0], W[:, :, 1], endW)


def _make_sc_kernel():
    info = plsc.get_sparse_core_info()
    nc, ns = info.num_cores, info.num_subcores
    nw = nc * ns
    bpw = B // nw
    groups = bpw // 16
    mesh = plsc.VectorSubcoreMesh(core_axis_name="c", subcore_axis_name="s")

    @functools.partial(
        pl.kernel,
        mesh=mesh,
        out_type=jax.ShapeDtypeStruct((B,), jnp.float32),
        scratch_types=[
            pltpu.VMEM((N, bpw), jnp.int32),
            pltpu.VMEM((N * RSTRIDE,), jnp.float32),
            pltpu.VMEM((bpw,), jnp.float32),
            pltpu.SemaphoreType.DMA,
            pltpu.SemaphoreType.DMA,
        ],
        compiler_params=pltpu.CompilerParams(needs_layout_passes=False),
    )
    def sc_fn(xt_hbm, tbl_hbm, out_hbm, x_v, tbl_v, out_v, sem_x, sem_t):
        wid = lax.axis_index("s") * nc + lax.axis_index("c")
        base = wid * bpw
        cp_x = pltpu.async_copy(xt_hbm.at[:, pl.ds(base, bpw)], x_v, sem_x)
        cp_t = pltpu.async_copy(tbl_hbm, tbl_v, sem_t)
        cp_x.wait()
        cp_t.wait()

        def cbody(c, carry):
            col = c * 16
            g = x_v[0, pl.ds(col, 16)]
            accs = [jnp.zeros((16,), jnp.float32) for _ in range(4)]
            for j0 in range(1, N, 4):
                js = [j for j in range(j0, min(j0 + 4, N))]
                xs = [x_v[j, pl.ds(col, 16)] for j in js]
                pre = []
                s = None
                for xv in xs:
                    s = xv if s is None else s + xv
                    pre.append(s)
                gs = [g + p for p in pre]
                for k, j in enumerate(js):
                    idx = xs[k] * CSTRIDE + gs[k] + (j - 1) * RSTRIDE
                    accs[k % 4] = accs[k % 4] + plsc.load_gather(
                        tbl_v, [idx]
                    )
                g = gs[-1]
            acc = (accs[0] + accs[1]) + (accs[2] + accs[3])
            acc = acc + plsc.load_gather(tbl_v, [g + (N - 1) * RSTRIDE])
            out_v[pl.ds(col, 16)] = acc
            return carry

        lax.fori_loop(0, groups, cbody, 0)
        pltpu.sync_copy(out_v, out_hbm.at[pl.ds(base, bpw)])

    return sc_fn


_SC_KERNEL = None


def kernel(x, W, endW):
    global _SC_KERNEL
    if _SC_KERNEL is None:
        _SC_KERNEL = _make_sc_kernel()
    table = _build_table(W, endW)
    out = _SC_KERNEL(x.T.astype(jnp.int32), table.reshape(-1))
    return out[:, None]

# --- scband reference (transcript-rebuilt; emitter-appended) ---
"""Pipeline reference for scband-array-pc-62294205662027 (READ-ONLY COPY).

The authoritative reference and input builder live on the scoring server;
editing this copy changes nothing except your own understanding.
"""

import jax, jax.numpy as jnp
import numpy as np

N = 100          # data_info['n']
K = 101          # data_info['k'] + 1
B = 16384

def _make_adjusts():
    W_adjust1 = np.ones((N - 1, K - 1, 2), dtype=np.float32)
    W_adjust2 = np.zeros((N - 1, K - 1, 2), dtype=np.float32)
    for i in range(K - 2):
        flat = W_adjust1[i].reshape(-1).copy()
        flat[2 + 2 * i:] = 0
        W_adjust1[i] = flat.reshape(K - 1, 2)
        flat2 = W_adjust2[i].reshape(-1).copy()
        flat2[2 + 2 * i + 1] = 1
        W_adjust2[i] = flat2.reshape(K - 1, 2)
    return jnp.asarray(W_adjust1), jnp.asarray(W_adjust2)

W_ADJ1, W_ADJ2 = _make_adjusts()

def setup_inputs(seed: int = 0):
    key = jax.random.key(seed)
    k1, k2, k3 = jax.random.split(key, 3)
    x = jax.random.randint(k1, (B, N), 0, 2)  # binary variables
    W = jax.random.normal(k2, (N - 1, K - 1, 2), dtype=jnp.float32)
    endW = jax.random.normal(k3, (1, K), dtype=jnp.float32)
    return {"x": x, "W": W, "endW": endW}

def reference(x, W, endW):
    b = x.shape[0]
    Wsm = jax.nn.softmax(W, axis=2)
    W_append = jnp.zeros((N - 1, 1, 2), dtype=W.dtype).at[:, :, 0].set(1.0)
    W_full = Wsm * W_ADJ1 + W_ADJ2
    W_full = jnp.concatenate([W_append, W_full], axis=1)  # (N-1, K, 2)
    group_num = x[:, 0]
    out = jnp.zeros((b, 1), dtype=W.dtype)
    for i in range(1, N):
        group_num = group_num + x[:, i]
        idx = x[:, i]
        selected = jnp.take(W_full[i - 1], group_num, axis=0)  # (b, 2) gather
        out = out + jnp.log(jnp.take_along_axis(selected, idx[:, None], axis=1))
    endW_sm = jax.nn.softmax(endW, axis=1)
    endW_sel = jnp.take(endW_sm, group_num, axis=1).T  # (b, 1)
    out = out + jnp.log(endW_sel)
    return out

if __name__ == "__main__":
    import jax
    _d = setup_inputs()
    print(jax.jit(kernel)(*tuple(_d.values())))

</pallas_src>

<mosaic_0001>
#map = affine_map<(d0, d1) -> (0, 0)>
#map1 = affine_map<(d0, d1) -> (0)>
module attributes {stable_mosaic.version = 14 : i64} {
  func.func @sc_fn(%arg0: i32, %arg1: i32, %arg2: memref<100x16384xi32, #tpu.memory_space<hbm>>, %arg3: memref<27200xf32, #tpu.memory_space<hbm>>, %arg4: memref<16384xf32, #tpu.memory_space<hbm>>, %arg5: memref<100x512xi32, #tpu.memory_space<vmem>>, %arg6: memref<27200xf32, #tpu.memory_space<vmem>>, %arg7: memref<512xf32, #tpu.memory_space<vmem>>, %arg8: memref<!tpu.dma_semaphore, #tpu.memory_space<semaphore_mem>>, %arg9: memref<!tpu.dma_semaphore, #tpu.memory_space<semaphore_mem>>) attributes {dimension_semantics = [#tpu.dimension_semantics<core_parallel>, #tpu.dimension_semantics<subcore_parallel>], iteration_bounds = array<i64: 2, 16>, scalar_prefetch = 0 : i64, scratch_operands = 5 : i64, tpu.core_type = #tpu.core_type<sc_vector_subcore>, window_params = [{transform_indices = #map}, {transform_indices = #map1}, {transform_indices = #map1}]} {
    %mul3A = arith.constant 2 : i32
    %mul3A_0 = arith.muli %arg1, %mul3A : i32
    %add3A = arith.addi %mul3A_0, %arg0 : i32
    %mul3A_1 = arith.constant 512 : i32
    %mul3A_2 = arith.muli %add3A, %mul3A_1 : i32
    %dma_start3A = arith.constant 0 : i32
    %dma_start3A_3 = tpu.memref_slice %arg2[%dma_start3A, %mul3A_2] : memref<100x16384xi32, #tpu.memory_space<hbm>> -> memref<100x512xi32, #tpu.memory_space<hbm>>
    %dma_start3A_4 = arith.constant 0 : i32
    %dma_start3A_5 = tpu.memref_slice %arg2[%dma_start3A_4, %mul3A_2] : memref<100x16384xi32, #tpu.memory_space<hbm>> -> memref<100x512xi32, #tpu.memory_space<hbm>>
    tpu.enqueue_dma source(%dma_start3A_5 : memref<100x512xi32, #tpu.memory_space<hbm>>) target(%arg5 : memref<100x512xi32, #tpu.memory_space<vmem>>) target_semaphore(%arg8 : memref<!tpu.dma_semaphore, #tpu.memory_space<semaphore_mem>>)
    tpu.enqueue_dma source(%arg3 : memref<27200xf32, #tpu.memory_space<hbm>>) target(%arg6 : memref<27200xf32, #tpu.memory_space<vmem>>) target_semaphore(%arg9 : memref<!tpu.dma_semaphore, #tpu.memory_space<semaphore_mem>>)
    %dma_wait3A = arith.constant 0 : i32
    %dma_wait3A_6 = tpu.memref_slice %arg2[%dma_wait3A, %mul3A_2] : memref<100x16384xi32, #tpu.memory_space<hbm>> -> memref<100x512xi32, #tpu.memory_space<hbm>>
    %dma_wait3A_7 = arith.constant 0 : i32
    %dma_wait3A_8 = tpu.memref_slice %arg2[%dma_wait3A_7, %mul3A_2] : memref<100x16384xi32, #tpu.memory_space<hbm>> -> memref<100x512xi32, #tpu.memory_space<hbm>>
    tpu.wait_dma2 semaphore(%arg8 : memref<!tpu.dma_semaphore, #tpu.memory_space<semaphore_mem>>) src(%dma_wait3A_8 : memref<100x512xi32, #tpu.memory_space<hbm>>) dst(%arg5 : memref<100x512xi32, #tpu.memory_space<vmem>>)
    tpu.wait_dma2 semaphore(%arg9 : memref<!tpu.dma_semaphore, #tpu.memory_space<semaphore_mem>>) src(%arg3 : memref<27200xf32, #tpu.memory_space<hbm>>) dst(%arg6 : memref<27200xf32, #tpu.memory_space<vmem>>)
    %scan3A = arith.constant 0 : i32
    %scan3A_9 = arith.constant 0 : i32
    %scan3A_10 = arith.constant 32 : i32
    %scan3A_11 = arith.addi %scan3A_9, %scan3A_10 : i32
    %scan3A_12 = arith.constant 1 : i32
    scf.for %scan3A_14 = %scan3A_9 to %scan3A_11 step %scan3A_12  : i32 {
      %mul3A_15 = arith.constant 16 : i32
      %mul3A_16 = arith.muli %scan3A_14, %mul3A_15 : i32
      %get3A = arith.constant 0 : i32
      %get3A_17 = arith.index_cast %get3A : i32 to index
      %get3A_18 = arith.index_cast %mul3A_16 : i32 to index
      %get3A_19 = tpu.vector_load %arg5[%get3A_17, %get3A_18] {strides = array<i32>} : memref<100x512xi32, #tpu.memory_space<vmem>>, vector<16xi32>,
      %broadcast_in_dim3A = arith.constant 0.000000e+00 : f32
      %broadcast_in_dim3A_20 = vector.broadcast %broadcast_in_dim3A : f32 to vector<16xf32>
      %broadcast_in_dim3A_21 = arith.constant 0.000000e+00 : f32
      %broadcast_in_dim3A_22 = vector.broadcast %broadcast_in_dim3A_21 : f32 to vector<16xf32>
      %broadcast_in_dim3A_23 = arith.constant 0.000000e+00 : f32
      %broadcast_in_dim3A_24 = vector.broadcast %broadcast_in_dim3A_23 : f32 to vector<16xf32>
      %broadcast_in_dim3A_25 = arith.constant 0.000000e+00 : f32
      %broadcast_in_dim3A_26 = vector.broadcast %broadcast_in_dim3A_25 : f32 to vector<16xf32>
      %get3A_27 = arith.constant 1 : i32
      %get3A_28 = arith.index_cast %get3A_27 : i32 to index
      %get3A_29 = arith.index_cast %mul3A_16 : i32 to index
      %get3A_30 = tpu.vector_load %arg5[%get3A_28, %get3A_29] {strides = array<i32>} : memref<100x512xi32, #tpu.memory_space<vmem>>, vector<16xi32>,
      %get3A_31 = arith.constant 2 : i32
      %get3A_32 = arith.index_cast %get3A_31 : i32 to index
      %get3A_33 = arith.index_cast %mul3A_16 : i32 to index
      %get3A_34 = tpu.vector_load %arg5[%get3A_32, %get3A_33] {strides = array<i32>} : memref<100x512xi32, #tpu.memory_space<vmem>>, vector<16xi32>,
      %get3A_35 = arith.constant 3 : i32
      %get3A_36 = arith.index_cast %get3A_35 : i32 to index
      %get3A_37 = arith.index_cast %mul3A_16 : i32 to index
      %get3A_38 = tpu.vector_load %arg5[%get3A_36, %get3A_37] {strides = array<i32>} : memref<100x512xi32, #tpu.memory_space<vmem>>, vector<16xi32>,
      %get3A_39 = arith.constant 4 : i32
      %get3A_40 = arith.index_cast %get3A_39 : i32 to index
      %get3A_41 = arith.index_cast %mul3A_16 : i32 to index
      %get3A_42 = tpu.vector_load %arg5[%get3A_40, %get3A_41] {strides = array<i32>} : memref<100x512xi32, #tpu.memory_space<vmem>>, vector<16xi32>,
      %add3A_43 = arith.addi %get3A_30, %get3A_34 : vector<16xi32>
      %add3A_44 = arith.addi %add3A_43, %get3A_38 : vector<16xi32>
      %add3A_45 = arith.addi %add3A_44, %get3A_42 : vector<16xi32>
      %add3A_46 = arith.addi %get3A_19, %get3A_30 : vector<16xi32>
      %add3A_47 = arith.addi %get3A_19, %add3A_43 : vector<16xi32>
      %add3A_48 = arith.addi %get3A_19, %add3A_44 : vector<16xi32>
      %add3A_49 = arith.addi %get3A_19, %add3A_45 : vector<16xi32>
      %mul3A_50 = arith.constant 136 : i32
      %mul3A_51 = vector.broadcast %mul3A_50 : i32 to vector<16xi32>
      %mul3A_52 = arith.muli %get3A_30, %mul3A_51 : vector<16xi32>
      %add3A_53 = arith.addi %mul3A_52, %add3A_46 : vector<16xi32>
      %add3A_54 = arith.constant 0 : i32
      %add3A_55 = vector.broadcast %add3A_54 : i32 to vector<16xi32>
      %add3A_56 = arith.addi %add3A_53, %add3A_55 : vector<16xi32>
      %gather3A = tpu.vector_load_idx %arg6[%add3A_56] : memref<27200xf32, #tpu.memory_space<vmem>>[vector<16xi32>], vector<16xf32>,
      %add3A_57 = arith.addf %broadcast_in_dim3A_20, %gather3A : vector<16xf32>
      %mul3A_58 = arith.constant 136 : i32
      %mul3A_59 = vector.broadcast %mul3A_58 : i32 to vector<16xi32>
      %mul3A_60 = arith.muli %get3A_34, %mul3A_59 : vector<16xi32>
      %add3A_61 = arith.addi %mul3A_60, %add3A_47 : vector<16xi32>
      %add3A_62 = arith.constant 272 : i32
      %add3A_63 = vector.broadcast %add3A_62 : i32 to vector<16xi32>
      %add3A_64 = arith.addi %add3A_61, %add3A_63 : vector<16xi32>
      %gather3A_65 = tpu.vector_load_idx %arg6[%add3A_64] : memref<27200xf32, #tpu.memory_space<vmem>>[vector<16xi32>], vector<16xf32>,
      %add3A_66 = arith.addf %broadcast_in_dim3A_22, %gather3A_65 : vector<16xf32>
      %mul3A_67 = arith.constant 136 : i32
      %mul3A_68 = vector.broadcast %mul3A_67 : i32 to vector<16xi32>
      %mul3A_69 = arith.muli %get3A_38, %mul3A_68 : vector<16xi32>
      %add3A_70 = arith.addi %mul3A_69, %add3A_48 : vector<16xi32>
      %add3A_71 = arith.constant 544 : i32
      %add3A_72 = vector.broadcast %add3A_71 : i32 to vector<16xi32>
      %add3A_73 = arith.addi %add3A_70, %add3A_72 : vector<16xi32>
      %gather3A_74 = tpu.vector_load_idx %arg6[%add3A_73] : memref<27200xf32, #tpu.memory_space<vmem>>[vector<16xi32>], vector<16xf32>,
      %add3A_75 = arith.addf %broadcast_in_dim3A_24, %gather3A_74 : vector<16xf32>
      %mul3A_76 = arith.constant 136 : i32
      %mul3A_77 = vector.broadcast %mul3A_76 : i32 to vector<16xi32>
      %mul3A_78 = arith.muli %get3A_42, %mul3A_77 : vector<16xi32>
      %add3A_79 = arith.addi %mul3A_78, %add3A_49 : vector<16xi32>
      %add3A_80 = arith.constant 816 : i32
      %add3A_81 = vector.broadcast %add3A_80 : i32 to vector<16xi32>
      %add3A_82 = arith.addi %add3A_79, %add3A_81 : vector<16xi32>
      %gather3A_83 = tpu.vector_load_idx %arg6[%add3A_82] : memref<27200xf32, #tpu.memory_space<vmem>>[vector<16xi32>], vector<16xf32>,
      %add3A_84 = arith.addf %broadcast_in_dim3A_26, %gather3A_83 : vector<16xf32>
      %get3A_85 = arith.constant 5 : i32
      %get3A_86 = arith.index_cast %get3A_85 : i32 to index
      %get3A_87 = arith.index_cast %mul3A_16 : i32 to index
      %get3A_88 = tpu.vector_load %arg5[%get3A_86, %get3A_87] {strides = array<i32>} : memref<100x512xi32, #tpu.memory_space<vmem>>, vector<16xi32>,
      %get3A_89 = arith.constant 6 : i32
      %get3A_90 = arith.index_cast %get3A_89 : i32 to index
      %get3A_91 = arith.index_cast %mul3A_16 : i32 to index
      %get3A_92 = tpu.vector_load %arg5[%get3A_90, %get3A_91] {strides = array<i32>} : memref<100x512xi32, #tpu.memory_space<vmem>>, vector<16xi32>,
      %get3A_93 = arith.constant 7 : i32
      %get3A_94 = arith.index_cast %get3A_93 : i32 to index
      %get3A_95 = arith.index_cast %mul3A_16 : i32 to index
      %get3A_96 = tpu.vector_load %arg5[%get3A_94, %get3A_95] {strides = array<i32>} : memref<100x512xi32, #tpu.memory_space<vmem>>, vector<16xi32>,
      %get3A_97 = arith.constant 8 : i32
      %get3A_98 = arith.index_cast %get3A_97 : i32 to index
      %get3A_99 = arith.index_cast %mul3A_16 : i32 to index
      %get3A_100 = tpu.vector_load %arg5[%get3A_98, %get3A_99] {strides = array<i32>} : memref<100x512xi32, #tpu.memory_space<vmem>>, vector<16xi32>,
      %add3A_101 = arith.addi %get3A_88, %get3A_92 : vector<16xi32>
      %add3A_102 = arith.addi %add3A_101, %get3A_96 : vector<16xi32>
      %add3A_103 = arith.addi %add3A_102, %get3A_100 : vector<16xi32>
      %add3A_104 = arith.addi %add3A_49, %get3A_88 : vector<16xi32>
      %add3A_105 = arith.addi %add3A_49, %add3A_101 : vector<16xi32>
      %add3A_106 = arith.addi %add3A_49, %add3A_102 : vector<16xi32>
      %add3A_107 = arith.addi %add3A_49, %add3A_103 : vector<16xi32>
      %mul3A_108 = arith.constant 136 : i32
      %mul3A_109 = vector.broadcast %mul3A_108 : i32 to vector<16xi32>
      %mul3A_110 = arith.muli %get3A_88, %mul3A_109 : vector<16xi32>
      %add3A_111 = arith.addi %mul3A_110, %add3A_104 : vector<16xi32>
      %add3A_112 = arith.constant 1088 : i32
      %add3A_113 = vector.broadcast %add3A_112 : i32 to vector<16xi32>
      %add3A_114 = arith.addi %add3A_111, %add3A_113 : vector<16xi32>
      %gather3A_115 = tpu.vector_load_idx %arg6[%add3A_114] : memref<27200xf32, #tpu.memory_space<vmem>>[vector<16xi32>], vector<16xf32>,
      %add3A_116 = arith.addf %add3A_57, %gather3A_115 : vector<16xf32>
      %mul3A_117 = arith.constant 136 : i32
      %mul3A_118 = vector.broadcast %mul3A_117 : i32 to vector<16xi32>
      %mul3A_119 = arith.muli %get3A_92, %mul3A_118 : vector<16xi32>
      %add3A_120 = arith.addi %mul3A_119, %add3A_105 : vector<16xi32>
      %add3A_121 = arith.constant 1360 : i32
      %add3A_122 = vector.broadcast %add3A_121 : i32 to vector<16xi32>
      %add3A_123 = arith.addi %add3A_120, %add3A_122 : vector<16xi32>
      %gather3A_124 = tpu.vector_load_idx %arg6[%add3A_123] : memref<27200xf32, #tpu.memory_space<vmem>>[vector<16xi32>], vector<16xf32>,
      %add3A_125 = arith.addf %add3A_66, %gather3A_124 : vector<16xf32>
      %mul3A_126 = arith.constant 136 : i32
      %mul3A_127 = vector.broadcast %mul3A_126 : i32 to vector<16xi32>
      %mul3A_128 = arith.muli %get3A_96, %mul3A_127 : vector<16xi32>
      %add3A_129 = arith.addi %mul3A_128, %add3A_106 : vector<16xi32>
      %add3A_130 = arith.constant 1632 : i32
      %add3A_131 = vector.broadcast %add3A_130 : i32 to vector<16xi32>
      %add3A_132 = arith.addi %add3A_129, %add3A_131 : vector<16xi32>
      %gather3A_133 = tpu.vector_load_idx %arg6[%add3A_132] : memref<27200xf32, #tpu.memory_space<vmem>>[vector<16xi32>], vector<16xf32>,
      %add3A_134 = arith.addf %add3A_75, %gather3A_133 : vector<16xf32>
      %mul3A_135 = arith.constant 136 : i32
      %mul3A_136 = vector.broadcast %mul3A_135 : i32 to vector<16xi32>
      %mul3A_137 = arith.muli %get3A_100, %mul3A_136 : vector<16xi32>
      %add3A_138 = arith.addi %mul3A_137, %add3A_107 : vector<16xi32>
      %add3A_139 = arith.constant 1904 : i32
      %add3A_140 = vector.broadcast %add3A_139 : i32 to vector<16xi32>
      %add3A_141 = arith.addi %add3A_138, %add3A_140 : vector<16xi32>
      %gather3A_142 = tpu.vector_load_idx %arg6[%add3A_141] : memref<27200xf32, #tpu.memory_space<vmem>>[vector<16xi32>], vector<16xf32>,
      %add3A_143 = arith.addf %add3A_84, %gather3A_142 : vector<16xf32>
      %get3A_144 = arith.constant 9 : i32
      %get3A_145 = arith.index_cast %get3A_144 : i32 to index
      %get3A_146 = arith.index_cast %mul3A_16 : i32 to index
      %get3A_147 = tpu.vector_load %arg5[%get3A_145, %get3A_146] {strides = array<i32>} : memref<100x512xi32, #tpu.memory_space<vmem>>, vector<16xi32>,
      %get3A_148 = arith.constant 10 : i32
      %get3A_149 = arith.index_cast %get3A_148 : i32 to index
      %get3A_150 = arith.index_cast %mul3A_16 : i32 to index
      %get3A_151 = tpu.vector_load %arg5[%get3A_149, %get3A_150] {strides = array<i32>} : memref<100x512xi32, #tpu.memory_space<vmem>>, vector<16xi32>,
      %get3A_152 = arith.constant 11 : i32
      %get3A_153 = arith.index_cast %get3A_152 : i32 to index
      %get3A_154 = arith.index_cast %mul3A_16 : i32 to index
      %get3A_155 = tpu.vector_load %arg5[%get3A_153, %get3A_154] {strides = array<i32>} : memref<100x512xi32, #tpu.memory_space<vmem>>, vector<16xi32>,
      %get3A_156 = arith.constant 12 : i32
      %get3A_157 = arith.index_cast %get3A_156 : i32 to index
      %get3A_158 = arith.index_cast %mul3A_16 : i32 to index
      %get3A_159 = tpu.vector_load %arg5[%get3A_157, %get3A_158] {strides = array<i32>} : memref<100x512xi32, #tpu.memory_space<vmem>>, vector<16xi32>,
      %add3A_160 = arith.addi %get3A_147, %get3A_151 : vector<16xi32>
      %add3A_161 = arith.addi %add3A_160, %get3A_155 : vector<16xi32>
      %add3A_162 = arith.addi %add3A_161, %get3A_159 : vector<16xi32>
      %add3A_163 = arith.addi %add3A_107, %get3A_147 : vector<16xi32>
      %add3A_164 = arith.addi %add3A_107, %add3A_160 : vector<16xi32>
      %add3A_165 = arith.addi %add3A_107, %add3A_161 : vector<16xi32>
      %add3A_166 = arith.addi %add3A_107, %add3A_162 : vector<16xi32>
      %mul3A_167 = arith.constant 136 : i32
      %mul3A_168 = vector.broadcast %mul3A_167 : i32 to vector<16xi32>
      %mul3A_169 = arith.muli %get3A_147, %mul3A_168 : vector<16xi32>
      %add3A_170 = arith.addi %mul3A_169, %add3A_163 : vector<16xi32>
      %add3A_171 = arith.constant 2176 : i32
      %add3A_172 = vector.broadcast %add3A_171 : i32 to vector<16xi32>
      %add3A_173 = arith.addi %add3A_170, %add3A_172 : vector<16xi32>
      %gather3A_174 = tpu.vector_load_idx %arg6[%add3A_173] : memref<27200xf32, #tpu.memory_space<vmem>>[vector<16xi32>], vector<16xf32>,
      %add3A_175 = arith.addf %add3A_116, %gather3A_174 : vector<16xf32>
      %mul3A_176 = arith.constant 136 : i32
      %mul3A_177 = vector.broadcast %mul3A_176 : i32 to vector<16xi32>
      %mul3A_178 = arith.muli %get3A_151, %mul3A_177 : vector<16xi32>
      %add3A_179 = arith.addi %mul3A_178, %add3A_164 : vector<16xi32>
      %add3A_180 = arith.constant 2448 : i32
      %add3A_181 = vector.broadcast %add3A_180 : i32 to vector<16xi32>
      %add3A_182 = arith.addi %add3A_179, %add3A_181 : vector<16xi32>
      %gather3A_183 = tpu.vector_load_idx %arg6[%add3A_182] : memref<27200xf32, #tpu.memory_space<vmem>>[vector<16xi32>], vector<16xf32>,
      %add3A_184 = arith.addf %add3A_125, %gather3A_183 : vector<16xf32>
      %mul3A_185 = arith.constant 136 : i32
      %mul3A_186 = vector.broadcast %mul3A_185 : i32 to vector<16xi32>
      %mul3A_187 = arith.muli %get3A_155, %mul3A_186 : vector<16xi32>
      %add3A_188 = arith.addi %mul3A_187, %add3A_165 : vector<16xi32>
      %add3A_189 = arith.constant 2720 : i32
      %add3A_190 = vector.broadcast %add3A_189 : i32 to vector<16xi32>
      %add3A_191 = arith.addi %add3A_188, %add3A_190 : vector<16xi32>
      %gather3A_192 = tpu.vector_load_idx %arg6[%add3A_191] : memref<27200xf32, #tpu.memory_space<vmem>>[vector<16xi32>], vector<16xf32>,
      %add3A_193 = arith.addf %add3A_134, %gather3A_192 : vector<16xf32>
      %mul3A_194 = arith.constant 136 : i32
      %mul3A_195 = vector.broadcast %mul3A_194 : i32 to vector<16xi32>
      %mul3A_196 = arith.muli %get3A_159, %mul3A_195 : vector<16xi32>
      %add3A_197 = arith.addi %mul3A_196, %add3A_166 : vector<16xi32>
      %add3A_198 = arith.constant 2992 : i32
      %add3A_199 = vector.broadcast %add3A_198 : i32 to vector<16xi32>
      %add3A_200 = arith.addi %add3A_197, %add3A_199 : vector<16xi32>
      %gather3A_201 = tpu.vector_load_idx %arg6[%add3A_200] : memref<27200xf32, #tpu.memory_space<vmem>>[vector<16xi32>], vector<16xf32>,
      %add3A_202 = arith.addf %add3A_143, %gather3A_201 : vector<16xf32>
      %get3A_203 = arith.constant 13 : i32
      %get3A_204 = arith.index_cast %get3A_203 : i32 to index
      %get3A_205 = arith.index_cast %mul3A_16 : i32 to index
      %get3A_206 = tpu.vector_load %arg5[%get3A_204, %get3A_205] {strides = array<i32>} : memref<100x512xi32, #tpu.memory_space<vmem>>, vector<16xi32>,
      %get3A_207 = arith.constant 14 : i32
      %get3A_208 = arith.index_cast %get3A_207 : i32 to index
      %get3A_209 = arith.index_cast %mul3A_16 : i32 to index
      %get3A_210 = tpu.vector_load %arg5[%get3A_208, %get3A_209] {strides = array<i32>} : memref<100x512xi32, #tpu.memory_space<vmem>>, vector<16xi32>,
      %get3A_211 = arith.constant 15 : i32
      %get3A_212 = arith.index_cast %get3A_211 : i32 to index
      %get3A_213 = arith.index_cast %mul3A_16 : i32 to index
      %get3A_214 = tpu.vector_load %arg5[%get3A_212, %get3A_213] {strides = array<i32>} : memref<100x512xi32, #tpu.memory_space<vmem>>, vector<16xi32>,
      %get3A_215 = arith.constant 16 : i32
      %get3A_216 = arith.index_cast %get3A_215 : i32 to index
      %get3A_217 = arith.index_cast %mul3A_16 : i32 to index
      %get3A_218 = tpu.vector_load %arg5[%get3A_216, %get3A_217] {strides = array<i32>} : memref<100x512xi32, #tpu.memory_space<vmem>>, vector<16xi32>,
      %add3A_219 = arith.addi %get3A_206, %get3A_210 : vector<16xi32>
      %add3A_220 = arith.addi %add3A_219, %get3A_214 : vector<16xi32>
      %add3A_221 = arith.addi %add3A_220, %get3A_218 : vector<16xi32>
      %add3A_222 = arith.addi %add3A_166, %get3A_206 : vector<16xi32>
      %add3A_223 = arith.addi %add3A_166, %add3A_219 : vector<16xi32>
      %add3A_224 = arith.addi %add3A_166, %add3A_220 : vector<16xi32>
      %add3A_225 = arith.addi %add3A_166, %add3A_221 : vector<16xi32>
      %mul3A_226 = arith.constant 136 : i32
      %mul3A_227 = vector.broadcast %mul3A_226 : i32 to vector<16xi32>
      %mul3A_228 = arith.muli %get3A_206, %mul3A_227 : vector<16xi32>
      %add3A_229 = arith.addi %mul3A_228, %add3A_222 : vector<16xi32>
      %add3A_230 = arith.constant 3264 : i32
      %add3A_231 = vector.broadcast %add3A_230 : i32 to vector<16xi32>
      %add3A_232 = arith.addi %add3A_229, %add3A_231 : vector<16xi32>
      %gather3A_233 = tpu.vector_load_idx %arg6[%add3A_232] : memref<27200xf32, #tpu.memory_space<vmem>>[vector<16xi32>], vector<16xf32>,
      %add3A_234 = arith.addf %add3A_175, %gather3A_233 : vector<16xf32>
      %mul3A_235 = arith.constant 136 : i32
      %mul3A_236 = vector.broadcast %mul3A_235 : i32 to vector<16xi32>
      %mul3A_237 = arith.muli %get3A_210, %mul3A_236 : vector<16xi32>
      %add3A_238 = arith.addi %mul3A_237, %add3A_223 : vector<16xi32>
      %add3A_239 = arith.constant 3536 : i32
      %add3A_240 = vector.broadcast %add3A_239 : i32 to vector<16xi32>
      %add3A_241 = arith.addi %add3A_238, %add3A_240 : vector<16xi32>
      %gather3A_242 = tpu.vector_load_idx %arg6[%add3A_241] : memref<27200xf32, #tpu.memory_space<vmem>>[vector<16xi32>], vector<16xf32>,
      %add3A_243 = arith.addf %add3A_184, %gather3A_242 : vector<16xf32>
      %mul3A_244 = arith.constant 136 : i32
      %mul3A_245 = vector.broadcast %mul3A_244 : i32 to vector<16xi32>
      %mul3A_246 = arith.muli %get3A_214, %mul3A_245 : vector<16xi32>
      %add3A_247 = arith.addi %mul3A_246, %add3A_224 : vector<16xi32>
      %add3A_248 = arith.constant 3808 : i32
      %add3A_249 = vector.broadcast %add3A_248 : i32 to vector<16xi32>
      %add3A_250 = arith.addi %add3A_247, %add3A_249 : vector<16xi32>
      %gather3A_251 = tpu.vector_load_idx %arg6[%add3A_250] : memref<27200xf32, #tpu.memory_space<vmem>>[vector<16xi32>], vector<16xf32>,
      %add3A_252 = arith.addf %add3A_193, %gather3A_251 : vector<16xf32>
      %mul3A_253 = arith.constant 136 : i32
      %mul3A_254 = vector.broadcast %mul3A_253 : i32 to vector<16xi32>
      %mul3A_255 = arith.muli %get3A_218, %mul3A_254 : vector<16xi32>
      %add3A_256 = arith.addi %mul3A_255, %add3A_225 : vector<16xi32>
      %add3A_257 = arith.constant 4080 : i32
      %add3A_258 = vector.broadcast %add3A_257 : i32 to vector<16xi32>
      %add3A_259 = arith.addi %add3A_256, %add3A_258 : vector<16xi32>
      %gather3A_260 = tpu.vector_load_idx %arg6[%add3A_259] : memref<27200xf32, #tpu.memory_space<vmem>>[vector<16xi32>], vector<16xf32>,
      %add3A_261 = arith.addf %add3A_202, %gather3A_260 : vector<16xf32>
      %get3A_262 = arith.constant 17 : i32
      %get3A_263 = arith.index_cast %get3A_262 : i32 to index
      %get3A_264 = arith.index_cast %mul3A_16 : i32 to index
      %get3A_265 = tpu.vector_load %arg5[%get3A_263, %get3A_264] {strides = array<i32>} : memref<100x512xi32, #tpu.memory_space<vmem>>, vector<16xi32>,
      %get3A_266 = arith.constant 18 : i32
      %get3A_267 = arith.index_cast %get3A_266 : i32 to index
      %get3A_268 = arith.index_cast %mul3A_16 : i32 to index
      %get3A_269 = tpu.vector_load %arg5[%get3A_267, %get3A_268] {strides = array<i32>} : memref<100x512xi32, #tpu.memory_space<vmem>>, vector<16xi32>,
      %get3A_270 = arith.constant 19 : i32
      %get3A_271 = arith.index_cast %get3A_270 : i32 to index
      %get3A_272 = arith.index_cast %mul3A_16 : i32 to index
      %get3A_273 = tpu.vector_load %arg5[%get3A_271, %get3A_272] {strides = array<i32>} : memref<100x512xi32, #tpu.memory_space<vmem>>, vector<16xi32>,
      %get3A_274 = arith.constant 20 : i32
      %get3A_275 = arith.index_cast %get3A_274 : i32 to index
      %get3A_276 = arith.index_cast %mul3A_16 : i32 to index
      %get3A_277 = tpu.vector_load %arg5[%get3A_275, %get3A_276] {strides = array<i32>} : memref<100x512xi32, #tpu.memory_space<vmem>>, vector<16xi32>,
      %add3A_278 = arith.addi %get3A_265, %get3A_269 : vector<16xi32>
      %add3A_279 = arith.addi %add3A_278, %get3A_273 : vector<16xi32>
      %add3A_280 = arith.addi %add3A_279, %get3A_277 : vector<16xi32>
      %add3A_281 = arith.addi %add3A_225, %get3A_265 : vector<16xi32>
      %add3A_282 = arith.addi %add3A_225, %add3A_278 : vector<16xi32>
      %add3A_283 = arith.addi %add3A_225, %add3A_279 : vector<16xi32>
      %add3A_284 = arith.addi %add3A_225, %add3A_280 : vector<16xi32>
      %mul3A_285 = arith.constant 136 : i32
      %mul3A_286 = vector.broadcast %mul3A_285 : i32 to vector<16xi32>
      %mul3A_287 = arith.muli %get3A_265, %mul3A_286 : vector<16xi32>
      %add3A_288 = arith.addi %mul3A_287, %add3A_281 : vector<16xi32>
      %add3A_289 = arith.constant 4352 : i32
      %add3A_290 = vector.broadcast %add3A_289 : i32 to vector<16xi32>
      %add3A_291 = arith.addi %add3A_288, %add3A_290 : vector<16xi32>
      %gather3A_292 = tpu.vector_load_idx %arg6[%add3A_291] : memref<27200xf32, #tpu.memory_space<vmem>>[vector<16xi32>], vector<16xf32>,
      %add3A_293 = arith.addf %add3A_234, %gather3A_292 : vector<16xf32>
      %mul3A_294 = arith.constant 136 : i32
      %mul3A_295 = vector.broadcast %mul3A_294 : i32 to vector<16xi32>
      %mul3A_296 = arith.muli %get3A_269, %mul3A_295 : vector<16xi32>
      %add3A_297 = arith.addi %mul3A_296, %add3A_282 : vector<16xi32>
      %add3A_298 = arith.constant 4624 : i32
      %add3A_299 = vector.broadcast %add3A_298 : i32 to vector<16xi32>
      %add3A_300 = arith.addi %add3A_297, %add3A_299 : vector<16xi32>
      %gather3A_301 = tpu.vector_load_idx %arg6[%add3A_300] : memref<27200xf32, #tpu.memory_space<vmem>>[vector<16xi32>], vector<16xf32>,
      %add3A_302 = arith.addf %add3A_243, %gather3A_301 : vector<16xf32>
      %mul3A_303 = arith.constant 136 : i32
      %mul3A_304 = vector.broadcast %mul3A_303 : i32 to vector<16xi32>
      %mul3A_305 = arith.muli %get3A_273, %mul3A_304 : vector<16xi32>
      %add3A_306 = arith.addi %mul3A_305, %add3A_283 : vector<16xi32>
      %add3A_307 = arith.constant 4896 : i32
      %add3A_308 = vector.broadcast %add3A_307 : i32 to vector<16xi32>
      %add3A_309 = arith.addi %add3A_306, %add3A_308 : vector<16xi32>
      %gather3A_310 = tpu.vector_load_idx %arg6[%add3A_309] : memref<27200xf32, #tpu.memory_space<vmem>>[vector<16xi32>], vector<16xf32>,
      %add3A_311 = arith.addf %add3A_252, %gather3A_310 : vector<16xf32>
      %mul3A_312 = arith.constant 136 : i32
      %mul3A_313 = vector.broadcast %mul3A_312 : i32 to vector<16xi32>
      %mul3A_314 = arith.muli %get3A_277, %mul3A_313 : vector<16xi32>
      %add3A_315 = arith.addi %mul3A_314, %add3A_284 : vector<16xi32>
      %add3A_316 = arith.constant 5168 : i32
      %add3A_317 = vector.broadcast %add3A_316 : i32 to vector<16xi32>
      %add3A_318 = arith.addi %add3A_315, %add3A_317 : vector<16xi32>
      %gather3A_319 = tpu.vector_load_idx %arg6[%add3A_318] : memref<27200xf32, #tpu.memory_space<vmem>>[vector<16xi32>], vector<16xf32>,
      %add3A_320 = arith.addf %add3A_261, %gather3A_319 : vector<16xf32>
      %get3A_321 = arith.constant 21 : i32
      %get3A_322 = arith.index_cast %get3A_321 : i32 to index
      %get3A_323 = arith.index_cast %mul3A_16 : i32 to index
      %get3A_324 = tpu.vector_load %arg5[%get3A_322, %get3A_323] {strides = array<i32>} : memref<100x512xi32, #tpu.memory_space<vmem>>, vector<16xi32>,
      %get3A_325 = arith.constant 22 : i32
      %get3A_326 = arith.index_cast %get3A_325 : i32 to index
      %get3A_327 = arith.index_cast %mul3A_16 : i32 to index
      %get3A_328 = tpu.vector_load %arg5[%get3A_326, %get3A_327] {strides = array<i32>} : memref<100x512xi32, #tpu.memory_space<vmem>>, vector<16xi32>,
      %get3A_329 = arith.constant 23 : i32
      %get3A_330 = arith.index_cast %get3A_329 : i32 to index
      %get3A_331 = arith.index_cast %mul3A_16 : i32 to index
      %get3A_332 = tpu.vector_load %arg5[%get3A_330, %get3A_331] {strides = array<i32>} : memref<100x512xi32, #tpu.memory_space<vmem>>, vector<16xi32>,
      %get3A_333 = arith.constant 24 : i32
      %get3A_334 = arith.index_cast %get3A_333 : i32 to index
      %get3A_335 = arith.index_cast %mul3A_16 : i32 to index
      %get3A_336 = tpu.vector_load %arg5[%get3A_334, %get3A_335] {strides = array<i32>} : memref<100x512xi32, #tpu.memory_space<vmem>>, vector<16xi32>,
      %add3A_337 = arith.addi %get3A_324, %get3A_328 : vector<16xi32>
      %add3A_338 = arith.addi %add3A_337, %get3A_332 : vector<16xi32>
      %add3A_339 = arith.addi %add3A_338, %get3A_336 : vector<16xi32>
      %add3A_340 = arith.addi %add3A_284, %get3A_324 : vector<16xi32>
      %add3A_341 = arith.addi %add3A_284, %add3A_337 : vector<16xi32>
      %add3A_342 = arith.addi %add3A_284, %add3A_338 : vector<16xi32>
      %add3A_343 = arith.addi %add3A_284, %add3A_339 : vector<16xi32>
      %mul3A_344 = arith.constant 136 : i32
      %mul3A_345 = vector.broadcast %mul3A_344 : i32 to vector<16xi32>
      %mul3A_346 = arith.muli %get3A_324, %mul3A_345 : vector<16xi32>
      %add3A_347 = arith.addi %mul3A_346, %add3A_340 : vector<16xi32>
      %add3A_348 = arith.constant 5440 : i32
      %add3A_349 = vector.broadcast %add3A_348 : i32 to vector<16xi32>
      %add3A_350 = arith.addi %add3A_347, %add3A_349 : vector<16xi32>
      %gather3A_351 = tpu.vector_load_idx %arg6[%add3A_350] : memref<27200xf32, #tpu.memory_space<vmem>>[vector<16xi32>], vector<16xf32>,
      %add3A_352 = arith.addf %add3A_293, %gather3A_351 : vector<16xf32>
      %mul3A_353 = arith.constant 136 : i32
      %mul3A_354 = vector.broadcast %mul3A_353 : i32 to vector<16xi32>
      %mul3A_355 = arith.muli %get3A_328, %mul3A_354 : vector<16xi32>
      %add3A_356 = arith.addi %mul3A_355, %add3A_341 : vector<16xi32>
      %add3A_357 = arith.constant 5712 : i32
      %add3A_358 = vector.broadcast %add3A_357 : i32 to vector<16xi32>
      %add3A_359 = arith.addi %add3A_356, %add3A_358 : vector<16xi32>
      %gather3A_360 = tpu.vector_load_idx %arg6[%add3A_359] : memref<27200xf32, #tpu.memory_space<vmem>>[vector<16xi32>], vector<16xf32>,
      %add3A_361 = arith.addf %add3A_302, %gather3A_360 : vector<16xf32>
      %mul3A_362 = arith.constant 136 : i32
      %mul3A_363 = vector.broadcast %mul3A_362 : i32 to vector<16xi32>
      %mul3A_364 = arith.muli %get3A_332, %mul3A_363 : vector<16xi32>
      %add3A_365 = arith.addi %mul3A_364, %add3A_342 : vector<16xi32>
      %add3A_366 = arith.constant 5984 : i32
      %add3A_367 = vector.broadcast %add3A_366 : i32 to vector<16xi32>
      %add3A_368 = arith.addi %add3A_365, %add3A_367 : vector<16xi32>
      %gather3A_369 = tpu.vector_load_idx %arg6[%add3A_368] : memref<27200xf32, #tpu.memory_space<vmem>>[vector<16xi32>], vector<16xf32>,
      %add3A_370 = arith.addf %add3A_311, %gather3A_369 : vector<16xf32>
      %mul3A_371 = arith.constant 136 : i32
      %mul3A_372 = vector.broadcast %mul3A_371 : i32 to vector<16xi32>
      %mul3A_373 = arith.muli %get3A_336, %mul3A_372 : vector<16xi32>
      %add3A_374 = arith.addi %mul3A_373, %add3A_343 : vector<16xi32>
      %add3A_375 = arith.constant 6256 : i32
      %add3A_376 = vector.broadcast %add3A_375 : i32 to vector<16xi32>
      %add3A_377 = arith.addi %add3A_374, %add3A_376 : vector<16xi32>
      %gather3A_378 = tpu.vector_load_idx %arg6[%add3A_377] : memref<27200xf32, #tpu.memory_space<vmem>>[vector<16xi32>], vector<16xf32>,
      %add3A_379 = arith.addf %add3A_320, %gather3A_378 : vector<16xf32>
      %get3A_380 = arith.constant 25 : i32
      %get3A_381 = arith.index_cast %get3A_380 : i32 to index
      %get3A_382 = arith.index_cast %mul3A_16 : i32 to index
      %get3A_383 = tpu.vector_load %arg5[%get3A_381, %get3A_382] {strides = array<i32>} : memref<100x512xi32, #tpu.memory_space<vmem>>, vector<16xi32>,
      %get3A_384 = arith.constant 26 : i32
      %get3A_385 = arith.index_cast %get3A_384 : i32 to index
      %get3A_386 = arith.index_cast %mul3A_16 : i32 to index
      %get3A_387 = tpu.vector_load %arg5[%get3A_385, %get3A_386] {strides = array<i32>} : memref<100x512xi32, #tpu.memory_space<vmem>>, vector<16xi32>,
      %get3A_388 = arith.constant 27 : i32
      %get3A_389 = arith.index_cast %get3A_388 : i32 to index
      %get3A_390 = arith.index_cast %mul3A_16 : i32 to index
      %get3A_391 = tpu.vector_load %arg5[%get3A_389, %get3A_390] {strides = array<i32>} : memref<100x512xi32, #tpu.memory_space<vmem>>, vector<16xi32>,
      %get3A_392 = arith.constant 28 : i32
      %get3A_393 = arith.index_cast %get3A_392 : i32 to index
      %get3A_394 = arith.index_cast %mul3A_16 : i32 to index
      %get3A_395 = tpu.vector_load %arg5[%get3A_393, %get3A_394] {strides = array<i32>} : memref<100x512xi32, #tpu.memory_space<vmem>>, vector<16xi32>,
      %add3A_396 = arith.addi %get3A_383, %get3A_387 : vector<16xi32>
      %add3A_397 = arith.addi %add3A_396, %get3A_391 : vector<16xi32>
      %add3A_398 = arith.addi %add3A_397, %get3A_395 : vector<16xi32>
      %add3A_399 = arith.addi %add3A_343, %get3A_383 : vector<16xi32>
      %add3A_400 = arith.addi %add3A_343, %add3A_396 : vector<16xi32>
      %add3A_401 = arith.addi %add3A_343, %add3A_397 : vector<16xi32>
      %add3A_402 = arith.addi %add3A_343, %add3A_398 : vector<16xi32>
      %mul3A_403 = arith.constant 136 : i32
      %mul3A_404 = vector.broadcast %mul3A_403 : i32 to vector<16xi32>
      %mul3A_405 = arith.muli %get3A_383, %mul3A_404 : vector<16xi32>
      %add3A_406 = arith.addi %mul3A_405, %add3A_399 : vector<16xi32>
      %add3A_407 = arith.constant 6528 : i32
      %add3A_408 = vector.broadcast %add3A_407 : i32 to vector<16xi32>
      %add3A_409 = arith.addi %add3A_406, %add3A_408 : vector<16xi32>
      %gather3A_410 = tpu.vector_load_idx %arg6[%add3A_409] : memref<27200xf32, #tpu.memory_space<vmem>>[vector<16xi32>], vector<16xf32>,
      %add3A_411 = arith.addf %add3A_352, %gather3A_410 : vector<16xf32>
      %mul3A_412 = arith.constant 136 : i32
      %mul3A_413 = vector.broadcast %mul3A_412 : i32 to vector<16xi32>
      %mul3A_414 = arith.muli %get3A_387, %mul3A_413 : vector<16xi32>
      %add3A_415 = arith.addi %mul3A_414, %add3A_400 : vector<16xi32>
      %add3A_416 = arith.constant 6800 : i32
      %add3A_417 = vector.broadcast %add3A_416 : i32 to vector<16xi32>
      %add3A_418 = arith.addi %add3A_415, %add3A_417 : vector<16xi32>
      %gather3A_419 = tpu.vector_load_idx %arg6[%add3A_418] : memref<27200xf32, #tpu.memory_space<vmem>>[vector<16xi32>], vector<16xf32>,
      %add3A_420 = arith.addf %add3A_361, %gather3A_419 : vector<16xf32>
      %mul3A_421 = arith.constant 136 : i32
      %mul3A_422 = vector.broadcast %mul3A_421 : i32 to vector<16xi32>
      %mul3A_423 = arith.muli %get3A_391, %mul3A_422 : vector<16xi32>
      %add3A_424 = arith.addi %mul3A_423, %add3A_401 : vector<16xi32>
      %add3A_425 = arith.constant 7072 : i32
      %add3A_426 = vector.broadcast %add3A_425 : i32 to vector<16xi32>
      %add3A_427 = arith.addi %add3A_424, %add3A_426 : vector<16xi32>
      %gather3A_428 = tpu.vector_load_idx %arg6[%add3A_427] : memref<27200xf32, #tpu.memory_space<vmem>>[vector<16xi32>], vector<16xf32>,
      %add3A_429 = arith.addf %add3A_370, %gather3A_428 : vector<16xf32>
      %mul3A_430 = arith.constant 136 : i32
      %mul3A_431 = vector.broadcast %mul3A_430 : i32 to vector<16xi32>
      %mul3A_432 = arith.muli %get3A_395, %mul3A_431 : vector<16xi32>
      %add3A_433 = arith.addi %mul3A_432, %add3A_402 : vector<16xi32>
      %add3A_434 = arith.constant 7344 : i32
      %add3A_435 = vector.broadcast %add3A_434 : i32 to vector<16xi32>
      %add3A_436 = arith.addi %add3A_433, %add3A_435 : vector<16xi32>
      %gather3A_437 = tpu.vector_load_idx %arg6[%add3A_436] : memref<27200xf32, #tpu.memory_space<vmem>>[vector<16xi32>], vector<16xf32>,
      %add3A_438 = arith.addf %add3A_379, %gather3A_437 : vector<16xf32>
      %get3A_439 = arith.constant 29 : i32
      %get3A_440 = arith.index_cast %get3A_439 : i32 to index
      %get3A_441 = arith.index_cast %mul3A_16 : i32 to index
      %get3A_442 = tpu.vector_load %arg5[%get3A_440, %get3A_441] {strides = array<i32>} : memref<100x512xi32, #tpu.memory_space<vmem>>, vector<16xi32>,
      %get3A_443 = arith.constant 30 : i32
      %get3A_444 = arith.index_cast %get3A_443 : i32 to index
      %get3A_445 = arith.index_cast %mul3A_16 : i32 to index
      %get3A_446 = tpu.vector_load %arg5[%get3A_444, %get3A_445] {strides = array<i32>} : memref<100x512xi32, #tpu.memory_space<vmem>>, vector<16xi32>,
      %get3A_447 = arith.constant 31 : i32
      %get3A_448 = arith.index_cast %get3A_447 : i32 to index
      %get3A_449 = arith.index_cast %mul3A_16 : i32 to index
      %get3A_450 = tpu.vector_load %arg5[%get3A_448, %get3A_449] {strides = array<i32>} : memref<100x512xi32, #tpu.memory_space<vmem>>, vector<16xi32>,
      %get3A_451 = arith.constant 32 : i32
      %get3A_452 = arith.index_cast %get3A_451 : i32 to index
      %get3A_453 = arith.index_cast %mul3A_16 : i32 to index
      %get3A_454 = tpu.vector_load %arg5[%get3A_452, %get3A_453] {strides = array<i32>} : memref<100x512xi32, #tpu.memory_space<vmem>>, vector<16xi32>,
      %add3A_455 = arith.addi %get3A_442, %get3A_446 : vector<16xi32>
      %add3A_456 = arith.addi %add3A_455, %get3A_450 : vector<16xi32>
      %add3A_457 = arith.addi %add3A_456, %get3A_454 : vector<16xi32>
      %add3A_458 = arith.addi %add3A_402, %get3A_442 : vector<16xi32>
      %add3A_459 = arith.addi %add3A_402, %add3A_455 : vector<16xi32>
      %add3A_460 = arith.addi %add3A_402, %add3A_456 : vector<16xi32>
      %add3A_461 = arith.addi %add3A_402, %add3A_457 : vector<16xi32>
      %mul3A_462 = arith.constant 136 : i32
      %mul3A_463 = vector.broadcast %mul3A_462 : i32 to vector<16xi32>
      %mul3A_464 = arith.muli %get3A_442, %mul3A_463 : vector<16xi32>
      %add3A_465 = arith.addi %mul3A_464, %add3A_458 : vector<16xi32>
      %add3A_466 = arith.constant 7616 : i32
      %add3A_467 = vector.broadcast %add3A_466 : i32 to vector<16xi32>
      %add3A_468 = arith.addi %add3A_465, %add3A_467 : vector<16xi32>
      %gather3A_469 = tpu.vector_load_idx %arg6[%add3A_468] : memref<27200xf32, #tpu.memory_space<vmem>>[vector<16xi32>], vector<16xf32>,
      %add3A_470 = arith.addf %add3A_411, %gather3A_469 : vector<16xf32>
      %mul3A_471 = arith.constant 136 : i32
      %mul3A_472 = vector.broadcast %mul3A_471 : i32 to vector<16xi32>
      %mul3A_473 = arith.muli %get3A_446, %mul3A_472 : vector<16xi32>
      %add3A_474 = arith.addi %mul3A_473, %add3A_459 : vector<16xi32>
      %add3A_475 = arith.constant 7888 : i32
      %add3A_476 = vector.broadcast %add3A_475 : i32 to vector<16xi32>
      %add3A_477 = arith.addi %add3A_474, %add3A_476 : vector<16xi32>
      %gather3A_478 = tpu.vector_load_idx %arg6[%add3A_477] : memref<27200xf32, #tpu.memory_space<vmem>>[vector<16xi32>], vector<16xf32>,
      %add3A_479 = arith.addf %add3A_420, %gather3A_478 : vector<16xf32>
      %mul3A_480 = arith.constant 136 : i32
      %mul3A_481 = vector.broadcast %mul3A_480 : i32 to vector<16xi32>
      %mul3A_482 = arith.muli %get3A_450, %mul3A_481 : vector<16xi32>
      %add3A_483 = arith.addi %mul3A_482, %add3A_460 : vector<16xi32>
      %add3A_484 = arith.constant 8160 : i32
      %add3A_485 = vector.broadcast %add3A_484 : i32 to vector<16xi32>
      %add3A_486 = arith.addi %add3A_483, %add3A_485 : vector<16xi32>
      %gather3A_487 = tpu.vector_load_idx %arg6[%add3A_486] : memref<27200xf32, #tpu.memory_space<vmem>>[vector<16xi32>], vector<16xf32>,
      %add3A_488 = arith.addf %add3A_429, %gather3A_487 : vector<16xf32>
      %mul3A_489 = arith.constant 136 : i32
      %mul3A_490 = vector.broadcast %mul3A_489 : i32 to vector<16xi32>
      %mul3A_491 = arith.muli %get3A_454, %mul3A_490 : vector<16xi32>
      %add3A_492 = arith.addi %mul3A_491, %add3A_461 : vector<16xi32>
      %add3A_493 = arith.constant 8432 : i32
      %add3A_494 = vector.broadcast %add3A_493 : i32 to vector<16xi32>
      %add3A_495 = arith.addi %add3A_492, %add3A_494 : vector<16xi32>
      %gather3A_496 = tpu.vector_load_idx %arg6[%add3A_495] : memref<27200xf32, #tpu.memory_space<vmem>>[vector<16xi32>], vector<16xf32>,
      %add3A_497 = arith.addf %add3A_438, %gather3A_496 : vector<16xf32>
      %get3A_498 = arith.constant 33 : i32
      %get3A_499 = arith.index_cast %get3A_498 : i32 to index
      %get3A_500 = arith.index_cast %mul3A_16 : i32 to index
      %get3A_501 = tpu.vector_load %arg5[%get3A_499, %get3A_500] {strides = array<i32>} : memref<100x512xi32, #tpu.memory_space<vmem>>, vector<16xi32>,
      %get3A_502 = arith.constant 34 : i32
      %get3A_503 = arith.index_cast %get3A_502 : i32 to index
      %get3A_504 = arith.index_cast %mul3A_16 : i32 to index
      %get3A_505 = tpu.vector_load %arg5[%get3A_503, %get3A_504] {strides = array<i32>} : memref<100x512xi32, #tpu.memory_space<vmem>>, vector<16xi32>,
      %get3A_506 = arith.constant 35 : i32
      %get3A_507 = arith.index_cast %get3A_506 : i32 to index
      %get3A_508 = arith.index_cast %mul3A_16 : i32 to index
      %get3A_509 = tpu.vector_load %arg5[%get3A_507, %get3A_508] {strides = array<i32>} : memref<100x512xi32, #tpu.memory_space<vmem>>, vector<16xi32>,
      %get3A_510 = arith.constant 36 : i32
      %get3A_511 = arith.index_cast %get3A_510 : i32 to index
      %get3A_512 = arith.index_cast %mul3A_16 : i32 to index
      %get3A_513 = tpu.vector_load %arg5[%get3A_511, %get3A_512] {strides = array<i32>} : memref<100x512xi32, #tpu.memory_space<vmem>>, vector<16xi32>,
      %add3A_514 = arith.addi %get3A_501, %get3A_505 : vector<16xi32>
      %add3A_515 = arith.addi %add3A_514, %get3A_509 : vector<16xi32>
      %add3A_516 = arith.addi %add3A_515, %get3A_513 : vector<16xi32>
      %add3A_517 = arith.addi %add3A_461, %get3A_501 : vector<16xi32>
      %add3A_518 = arith.addi %add3A_461, %add3A_514 : vector<16xi32>
      %add3A_519 = arith.addi %add3A_461, %add3A_515 : vector<16xi32>
      %add3A_520 = arith.addi %add3A_461, %add3A_516 : vector<16xi32>
      %mul3A_521 = arith.constant 136 : i32
      %mul3A_522 = vector.broadcast %mul3A_521 : i32 to vector<16xi32>
      %mul3A_523 = arith.muli %get3A_501, %mul3A_522 : vector<16xi32>
      %add3A_524 = arith.addi %mul3A_523, %add3A_517 : vector<16xi32>
      %add3A_525 = arith.constant 8704 : i32
      %add3A_526 = vector.broadcast %add3A_525 : i32 to vector<16xi32>
      %add3A_527 = arith.addi %add3A_524, %add3A_526 : vector<16xi32>
      %gather3A_528 = tpu.vector_load_idx %arg6[%add3A_527] : memref<27200xf32, #tpu.memory_space<vmem>>[vector<16xi32>], vector<16xf32>,
      %add3A_529 = arith.addf %add3A_470, %gather3A_528 : vector<16xf32>
      %mul3A_530 = arith.constant 136 : i32
      %mul3A_531 = vector.broadcast %mul3A_530 : i32 to vector<16xi32>
      %mul3A_532 = arith.muli %get3A_505, %mul3A_531 : vector<16xi32>
      %add3A_533 = arith.addi %mul3A_532, %add3A_518 : vector<16xi32>
      %add3A_534 = arith.constant 8976 : i32
      %add3A_535 = vector.broadcast %add3A_534 : i32 to vector<16xi32>
      %add3A_536 = arith.addi %add3A_533, %add3A_535 : vector<16xi32>
      %gather3A_537 = tpu.vector_load_idx %arg6[%add3A_536] : memref<27200xf32, #tpu.memory_space<vmem>>[vector<16xi32>], vector<16xf32>,
      %add3A_538 = arith.addf %add3A_479, %gather3A_537 : vector<16xf32>
      %mul3A_539 = arith.constant 136 : i32
      %mul3A_540 = vector.broadcast %mul3A_539 : i32 to vector<16xi32>
      %mul3A_541 = arith.muli %get3A_509, %mul3A_540 : vector<16xi32>
      %add3A_542 = arith.addi %mul3A_541, %add3A_519 : vector<16xi32>
      %add3A_543 = arith.constant 9248 : i32
      %add3A_544 = vector.broadcast %add3A_543 : i32 to vector<16xi32>
      %add3A_545 = arith.addi %add3A_542, %add3A_544 : vector<16xi32>
      %gather3A_546 = tpu.vector_load_idx %arg6[%add3A_545] : memref<27200xf32, #tpu.memory_space<vmem>>[vector<16xi32>], vector<16xf32>,
      %add3A_547 = arith.addf %add3A_488, %gather3A_546 : vector<16xf32>
      %mul3A_548 = arith.constant 136 : i32
      %mul3A_549 = vector.broadcast %mul3A_548 : i32 to vector<16xi32>
      %mul3A_550 = arith.muli %get3A_513, %mul3A_549 : vector<16xi32>
      %add3A_551 = arith.addi %mul3A_550, %add3A_520 : vector<16xi32>
      %add3A_552 = arith.constant 9520 : i32
      %add3A_553 = vector.broadcast %add3A_552 : i32 to vector<16xi32>
      %add3A_554 = arith.addi %add3A_551, %add3A_553 : vector<16xi32>
      %gather3A_555 = tpu.vector_load_idx %arg6[%add3A_554] : memref<27200xf32, #tpu.memory_space<vmem>>[vector<16xi32>], vector<16xf32>,
      %add3A_556 = arith.addf %add3A_497, %gather3A_555 : vector<16xf32>
      %get3A_557 = arith.constant 37 : i32
      %get3A_558 = arith.index_cast %get3A_557 : i32 to index
      %get3A_559 = arith.index_cast %mul3A_16 : i32 to index
      %get3A_560 = tpu.vector_load %arg5[%get3A_558, %get3A_559] {strides = array<i32>} : memref<100x512xi32, #tpu.memory_space<vmem>>, vector<16xi32>,
      %get3A_561 = arith.constant 38 : i32
      %get3A_562 = arith.index_cast %get3A_561 : i32 to index
      %get3A_563 = arith.index_cast %mul3A_16 : i32 to index
      %get3A_564 = tpu.vector_load %arg5[%get3A_562, %get3A_563] {strides = array<i32>} : memref<100x512xi32, #tpu.memory_space<vmem>>, vector<16xi32>,
      %get3A_565 = arith.constant 39 : i32
      %get3A_566 = arith.index_cast %get3A_565 : i32 to index
      %get3A_567 = arith.index_cast %mul3A_16 : i32 to index
      %get3A_568 = tpu.vector_load %arg5[%get3A_566, %get3A_567] {strides = array<i32>} : memref<100x512xi32, #tpu.memory_space<vmem>>, vector<16xi32>,
      %get3A_569 = arith.constant 40 : i32
      %get3A_570 = arith.index_cast %get3A_569 : i32 to index
      %get3A_571 = arith.index_cast %mul3A_16 : i32 to index
      %get3A_572 = tpu.vector_load %arg5[%get3A_570, %get3A_571] {strides = array<i32>} : memref<100x512xi32, #tpu.memory_space<vmem>>, vector<16xi32>,
      %add3A_573 = arith.addi %get3A_560, %get3A_564 : vector<16xi32>
      %add3A_574 = arith.addi %add3A_573, %get3A_568 : vector<16xi32>
      %add3A_575 = arith.addi %add3A_574, %get3A_572 : vector<16xi32>
      %add3A_576 = arith.addi %add3A_520, %get3A_560 : vector<16xi32>
      %add3A_577 = arith.addi %add3A_520, %add3A_573 : vector<16xi32>
      %add3A_578 = arith.addi %add3A_520, %add3A_574 : vector<16xi32>
      %add3A_579 = arith.addi %add3A_520, %add3A_575 : vector<16xi32>
      %mul3A_580 = arith.constant 136 : i32
      %mul3A_581 = vector.broadcast %mul3A_580 : i32 to vector<16xi32>
      %mul3A_582 = arith.muli %get3A_560, %mul3A_581 : vector<16xi32>
      %add3A_583 = arith.addi %mul3A_582, %add3A_576 : vector<16xi32>
      %add3A_584 = arith.constant 9792 : i32
      %add3A_585 = vector.broadcast %add3A_584 : i32 to vector<16xi32>
      %add3A_586 = arith.addi %add3A_583, %add3A_585 : vector<16xi32>
      %gather3A_587 = tpu.vector_load_idx %arg6[%add3A_586] : memref<27200xf32, #tpu.memory_space<vmem>>[vector<16xi32>], vector<16xf32>,
      %add3A_588 = arith.addf %add3A_529, %gather3A_587 : vector<16xf32>
      %mul3A_589 = arith.constant 136 : i32
      %mul3A_590 = vector.broadcast %mul3A_589 : i32 to vector<16xi32>
      %mul3A_591 = arith.muli %get3A_564, %mul3A_590 : vector<16xi32>
      %add3A_592 = arith.addi %mul3A_591, %add3A_577 : vector<16xi32>
      %add3A_593 = arith.constant 10064 : i32
      %add3A_594 = vector.broadcast %add3A_593 : i32 to vector<16xi32>
      %add3A_595 = arith.addi %add3A_592, %add3A_594 : vector<16xi32>
      %gather3A_596 = tpu.vector_load_idx %arg6[%add3A_595] : memref<27200xf32, #tpu.memory_space<vmem>>[vector<16xi32>], vector<16xf32>,
      %add3A_597 = arith.addf %add3A_538, %gather3A_596 : vector<16xf32>
      %mul3A_598 = arith.constant 136 : i32
      %mul3A_599 = vector.broadcast %mul3A_598 : i32 to vector<16xi32>
      %mul3A_600 = arith.muli %get3A_568, %mul3A_599 : vector<16xi32>
      %add3A_601 = arith.addi %mul3A_600, %add3A_578 : vector<16xi32>
      %add3A_602 = arith.constant 10336 : i32
      %add3A_603 = vector.broadcast %add3A_602 : i32 to vector<16xi32>
      %add3A_604 = arith.addi %add3A_601, %add3A_603 : vector<16xi32>
      %gather3A_605 = tpu.vector_load_idx %arg6[%add3A_604] : memref<27200xf32, #tpu.memory_space<vmem>>[vector<16xi32>], vector<16xf32>,
      %add3A_606 = arith.addf %add3A_547, %gather3A_605 : vector<16xf32>
      %mul3A_607 = arith.constant 136 : i32
      %mul3A_608 = vector.broadcast %mul3A_607 : i32 to vector<16xi32>
      %mul3A_609 = arith.muli %get3A_572, %mul3A_608 : vector<16xi32>
      %add3A_610 = arith.addi %mul3A_609, %add3A_579 : vector<16xi32>
      %add3A_611 = arith.constant 10608 : i32
      %add3A_612 = vector.broadcast %add3A_611 : i32 to vector<16xi32>
      %add3A_613 = arith.addi %add3A_610, %add3A_612 : vector<16xi32>
      %gather3A_614 = tpu.vector_load_idx %arg6[%add3A_613] : memref<27200xf32, #tpu.memory_space<vmem>>[vector<16xi32>], vector<16xf32>,
      %add3A_615 = arith.addf %add3A_556, %gather3A_614 : vector<16xf32>
      %get3A_616 = arith.constant 41 : i32
      %get3A_617 = arith.index_cast %get3A_616 : i32 to index
      %get3A_618 = arith.index_cast %mul3A_16 : i32 to index
      %get3A_619 = tpu.vector_load %arg5[%get3A_617, %get3A_618] {strides = array<i32>} : memref<100x512xi32, #tpu.memory_space<vmem>>, vector<16xi32>,
      %get3A_620 = arith.constant 42 : i32
      %get3A_621 = arith.index_cast %get3A_620 : i32 to index
      %get3A_622 = arith.index_cast %mul3A_16 : i32 to index
      %get3A_623 = tpu.vector_load %arg5[%get3A_621, %get3A_622] {strides = array<i32>} : memref<100x512xi32, #tpu.memory_space<vmem>>, vector<16xi32>,
      %get3A_624 = arith.constant 43 : i32
      %get3A_625 = arith.index_cast %get3A_624 : i32 to index
      %get3A_626 = arith.index_cast %mul3A_16 : i32 to index
      %get3A_627 = tpu.vector_load %arg5[%get3A_625, %get3A_626] {strides = array<i32>} : memref<100x512xi32, #tpu.memory_space<vmem>>, vector<16xi32>,
      %get3A_628 = arith.constant 44 : i32
      %get3A_629 = arith.index_cast %get3A_628 : i32 to index
      %get3A_630 = arith.index_cast %mul3A_16 : i32 to index
      %get3A_631 = tpu.vector_load %arg5[%get3A_629, %get3A_630] {strides = array<i32>} : memref<100x512xi32, #tpu.memory_space<vmem>>, vector<16xi32>,
      %add3A_632 = arith.addi %get3A_619, %get3A_623 : vector<16xi32>
      %add3A_633 = arith.addi %add3A_632, %get3A_627 : vector<16xi32>
      %add3A_634 = arith.addi %add3A_633, %get3A_631 : vector<16xi32>
      %add3A_635 = arith.addi %add3A_579, %get3A_619 : vector<16xi32>
      %add3A_636 = arith.addi %add3A_579, %add3A_632 : vector<16xi32>
      %add3A_637 = arith.addi %add3A_579, %add3A_633 : vector<16xi32>
      %add3A_638 = arith.addi %add3A_579, %add3A_634 : vector<16xi32>
      %mul3A_639 = arith.constant 136 : i32
      %mul3A_640 = vector.broadcast %mul3A_639 : i32 to vector<16xi32>
      %mul3A_641 = arith.muli %get3A_619, %mul3A_640 : vector<16xi32>
      %add3A_642 = arith.addi %mul3A_641, %add3A_635 : vector<16xi32>
      %add3A_643 = arith.constant 10880 : i32
      %add3A_644 = vector.broadcast %add3A_643 : i32 to vector<16xi32>
      %add3A_645 = arith.addi %add3A_642, %add3A_644 : vector<16xi32>
      %gather3A_646 = tpu.vector_load_idx %arg6[%add3A_645] : memref<27200xf32, #tpu.memory_space<vmem>>[vector<16xi32>], vector<16xf32>,
      %add3A_647 = arith.addf %add3A_588, %gather3A_646 : vector<16xf32>
      %mul3A_648 = arith.constant 136 : i32
      %mul3A_649 = vector.broadcast %mul3A_648 : i32 to vector<16xi32>
      %mul3A_650 = arith.muli %get3A_623, %mul3A_649 : vector<16xi32>
      %add3A_651 = arith.addi %mul3A_650, %add3A_636 : vector<16xi32>
      %add3A_652 = arith.constant 11152 : i32
      %add3A_653 = vector.broadcast %add3A_652 : i32 to vector<16xi32>
      %add3A_654 = arith.addi %add3A_651, %add3A_653 : vector<16xi32>
      %gather3A_655 = tpu.vector_load_idx %arg6[%add3A_654] : memref<27200xf32, #tpu.memory_space<vmem>>[vector<16xi32>], vector<16xf32>,
      %add3A_656 = arith.addf %add3A_597, %gather3A_655 : vector<16xf32>
      %mul3A_657 = arith.constant 136 : i32
      %mul3A_658 = vector.broadcast %mul3A_657 : i32 to vector<16xi32>
      %mul3A_659 = arith.muli %get3A_627, %mul3A_658 : vector<16xi32>
      %add3A_660 = arith.addi %mul3A_659, %add3A_637 : vector<16xi32>
      %add3A_661 = arith.constant 11424 : i32
      %add3A_662 = vector.broadcast %add3A_661 : i32 to vector<16xi32>
      %add3A_663 = arith.addi %add3A_660, %add3A_662 : vector<16xi32>
      %gather3A_664 = tpu.vector_load_idx %arg6[%add3A_663] : memref<27200xf32, #tpu.memory_space<vmem>>[vector<16xi32>], vector<16xf32>,
      %add3A_665 = arith.addf %add3A_606, %gather3A_664 : vector<16xf32>
      %mul3A_666 = arith.constant 136 : i32
      %mul3A_667 = vector.broadcast %mul3A_666 : i32 to vector<16xi32>
      %mul3A_668 = arith.muli %get3A_631, %mul3A_667 : vector<16xi32>
      %add3A_669 = arith.addi %mul3A_668, %add3A_638 : vector<16xi32>
      %add3A_670 = arith.constant 11696 : i32
      %add3A_671 = vector.broadcast %add3A_670 : i32 to vector<16xi32>
      %add3A_672 = arith.addi %add3A_669, %add3A_671 : vector<16xi32>
      %gather3A_673 = tpu.vector_load_idx %arg6[%add3A_672] : memref<27200xf32, #tpu.memory_space<vmem>>[vector<16xi32>], vector<16xf32>,
      %add3A_674 = arith.addf %add3A_615, %gather3A_673 : vector<16xf32>
      %get3A_675 = arith.constant 45 : i32
      %get3A_676 = arith.index_cast %get3A_675 : i32 to index
      %get3A_677 = arith.index_cast %mul3A_16 : i32 to index
      %get3A_678 = tpu.vector_load %arg5[%get3A_676, %get3A_677] {strides = array<i32>} : memref<100x512xi32, #tpu.memory_space<vmem>>, vector<16xi32>,
      %get3A_679 = arith.constant 46 : i32
      %get3A_680 = arith.index_cast %get3A_679 : i32 to index
      %get3A_681 = arith.index_cast %mul3A_16 : i32 to index
      %get3A_682 = tpu.vector_load %arg5[%get3A_680, %get3A_681] {strides = array<i32>} : memref<100x512xi32, #tpu.memory_space<vmem>>, vector<16xi32>,
      %get3A_683 = arith.constant 47 : i32
      %get3A_684 = arith.index_cast %get3A_683 : i32 to index
      %get3A_685 = arith.index_cast %mul3A_16 : i32 to index
      %get3A_686 = tpu.vector_load %arg5[%get3A_684, %get3A_685] {strides = array<i32>} : memref<100x512xi32, #tpu.memory_space<vmem>>, vector<16xi32>,
      %get3A_687 = arith.constant 48 : i32
      %get3A_688 = arith.index_cast %get3A_687 : i32 to index
      %get3A_689 = arith.index_cast %mul3A_16 : i32 to index
      %get3A_690 = tpu.vector_load %arg5[%get3A_688, %get3A_689] {strides = array<i32>} : memref<100x512xi32, #tpu.memory_space<vmem>>, vector<16xi32>,
      %add3A_691 = arith.addi %get3A_678, %get3A_682 : vector<16xi32>
      %add3A_692 = arith.addi %add3A_691, %get3A_686 : vector<16xi32>
      %add3A_693 = arith.addi %add3A_692, %get3A_690 : vector<16xi32>
      %add3A_694 = arith.addi %add3A_638, %get3A_678 : vector<16xi32>
      %add3A_695 = arith.addi %add3A_638, %add3A_691 : vector<16xi32>
      %add3A_696 = arith.addi %add3A_638, %add3A_692 : vector<16xi32>
      %add3A_697 = arith.addi %add3A_638, %add3A_693 : vector<16xi32>
      %mul3A_698 = arith.constant 136 : i32
      %mul3A_699 = vector.broadcast %mul3A_698 : i32 to vector<16xi32>
      %mul3A_700 = arith.muli %get3A_678, %mul3A_699 : vector<16xi32>
      %add3A_701 = arith.addi %mul3A_700, %add3A_694 : vector<16xi32>
      %add3A_702 = arith.constant 11968 : i32
      %add3A_703 = vector.broadcast %add3A_702 : i32 to vector<16xi32>
      %add3A_704 = arith.addi %add3A_701, %add3A_703 : vector<16xi32>
      %gather3A_705 = tpu.vector_load_idx %arg6[%add3A_704] : memref<27200xf32, #tpu.memory_space<vmem>>[vector<16xi32>], vector<16xf32>,
      %add3A_706 = arith.addf %add3A_647, %gather3A_705 : vector<16xf32>
      %mul3A_707 = arith.constant 136 : i32
      %mul3A_708 = vector.broadcast %mul3A_707 : i32 to vector<16xi32>
      %mul3A_709 = arith.muli %get3A_682, %mul3A_708 : vector<16xi32>
      %add3A_710 = arith.addi %mul3A_709, %add3A_695 : vector<16xi32>
      %add3A_711 = arith.constant 12240 : i32
      %add3A_712 = vector.broadcast %add3A_711 : i32 to vector<16xi32>
      %add3A_713 = arith.addi %add3A_710, %add3A_712 : vector<16xi32>
      %gather3A_714 = tpu.vector_load_idx %arg6[%add3A_713] : memref<27200xf32, #tpu.memory_space<vmem>>[vector<16xi32>], vector<16xf32>,
      %add3A_715 = arith.addf %add3A_656, %gather3A_714 : vector<16xf32>
      %mul3A_716 = arith.constant 136 : i32
      %mul3A_717 = vector.broadcast %mul3A_716 : i32 to vector<16xi32>
      %mul3A_718 = arith.muli %get3A_686, %mul3A_717 : vector<16xi32>
      %add3A_719 = arith.addi %mul3A_718, %add3A_696 : vector<16xi32>
      %add3A_720 = arith.constant 12512 : i32
      %add3A_721 = vector.broadcast %add3A_720 : i32 to vector<16xi32>
      %add3A_722 = arith.addi %add3A_719, %add3A_721 : vector<16xi32>
      %gather3A_723 = tpu.vector_load_idx %arg6[%add3A_722] : memref<27200xf32, #tpu.memory_space<vmem>>[vector<16xi32>], vector<16xf32>,
      %add3A_724 = arith.addf %add3A_665, %gather3A_723 : vector<16xf32>
      %mul3A_725 = arith.constant 136 : i32
      %mul3A_726 = vector.broadcast %mul3A_725 : i32 to vector<16xi32>
      %mul3A_727 = arith.muli %get3A_690, %mul3A_726 : vector<16xi32>
      %add3A_728 = arith.addi %mul3A_727, %add3A_697 : vector<16xi32>
      %add3A_729 = arith.constant 12784 : i32
      %add3A_730 = vector.broadcast %add3A_729 : i32 to vector<16xi32>
      %add3A_731 = arith.addi %add3A_728, %add3A_730 : vector<16xi32>
      %gather3A_732 = tpu.vector_load_idx %arg6[%add3A_731] : memref<27200xf32, #tpu.memory_space<vmem>>[vector<16xi32>], vector<16xf32>,
      %add3A_733 = arith.addf %add3A_674, %gather3A_732 : vector<16xf32>
      %get3A_734 = arith.constant 49 : i32
      %get3A_735 = arith.index_cast %get3A_734 : i32 to index
      %get3A_736 = arith.index_cast %mul3A_16 : i32 to index
      %get3A_737 = tpu.vector_load %arg5[%get3A_735, %get3A_736] {strides = array<i32>} : memref<100x512xi32, #tpu.memory_space<vmem>>, vector<16xi32>,
      %get3A_738 = arith.constant 50 : i32
      %get3A_739 = arith.index_cast %get3A_738 : i32 to index
      %get3A_740 = arith.index_cast %mul3A_16 : i32 to index
      %get3A_741 = tpu.vector_load %arg5[%get3A_739, %get3A_740] {strides = array<i32>} : memref<100x512xi32, #tpu.memory_space<vmem>>, vector<16xi32>,
      %get3A_742 = arith.constant 51 : i32
      %get3A_743 = arith.index_cast %get3A_742 : i32 to index
      %get3A_744 = arith.index_cast %mul3A_16 : i32 to index
      %get3A_745 = tpu.vector_load %arg5[%get3A_743, %get3A_744] {strides = array<i32>} : memref<100x512xi32, #tpu.memory_space<vmem>>, vector<16xi32>,
      %get3A_746 = arith.constant 52 : i32
      %get3A_747 = arith.index_cast %get3A_746 : i32 to index
      %get3A_748 = arith.index_cast %mul3A_16 : i32 to index
      %get3A_749 = tpu.vector_load %arg5[%get3A_747, %get3A_748] {strides = array<i32>} : memref<100x512xi32, #tpu.memory_space<vmem>>, vector<16xi32>,
      %add3A_750 = arith.addi %get3A_737, %get3A_741 : vector<16xi32>
      %add3A_751 = arith.addi %add3A_750, %get3A_745 : vector<16xi32>
      %add3A_752 = arith.addi %add3A_751, %get3A_749 : vector<16xi32>
      %add3A_753 = arith.addi %add3A_697, %get3A_737 : vector<16xi32>
      %add3A_754 = arith.addi %add3A_697, %add3A_750 : vector<16xi32>
      %add3A_755 = arith.addi %add3A_697, %add3A_751 : vector<16xi32>
      %add3A_756 = arith.addi %add3A_697, %add3A_752 : vector<16xi32>
      %mul3A_757 = arith.constant 136 : i32
      %mul3A_758 = vector.broadcast %mul3A_757 : i32 to vector<16xi32>
      %mul3A_759 = arith.muli %get3A_737, %mul3A_758 : vector<16xi32>
      %add3A_760 = arith.addi %mul3A_759, %add3A_753 : vector<16xi32>
      %add3A_761 = arith.constant 13056 : i32
      %add3A_762 = vector.broadcast %add3A_761 : i32 to vector<16xi32>
      %add3A_763 = arith.addi %add3A_760, %add3A_762 : vector<16xi32>
      %gather3A_764 = tpu.vector_load_idx %arg6[%add3A_763] : memref<27200xf32, #tpu.memory_space<vmem>>[vector<16xi32>], vector<16xf32>,
      %add3A_765 = arith.addf %add3A_706, %gather3A_764 : vector<16xf32>
      %mul3A_766 = arith.constant 136 : i32
      %mul3A_767 = vector.broadcast %mul3A_766 : i32 to vector<16xi32>
      %mul3A_768 = arith.muli %get3A_741, %mul3A_767 : vector<16xi32>
      %add3A_769 = arith.addi %mul3A_768, %add3A_754 : vector<16xi32>
      %add3A_770 = arith.constant 13328 : i32
      %add3A_771 = vector.broadcast %add3A_770 : i32 to vector<16xi32>
      %add3A_772 = arith.addi %add3A_769, %add3A_771 : vector<16xi32>
      %gather3A_773 = tpu.vector_load_idx %arg6[%add3A_772] : memref<27200xf32, #tpu.memory_space<vmem>>[vector<16xi32>], vector<16xf32>,
      %add3A_774 = arith.addf %add3A_715, %gather3A_773 : vector<16xf32>
      %mul3A_775 = arith.constant 136 : i32
      %mul3A_776 = vector.broadcast %mul3A_775 : i32 to vector<16xi32>
      %mul3A_777 = arith.muli %get3A_745, %mul3A_776 : vector<16xi32>
      %add3A_778 = arith.addi %mul3A_777, %add3A_755 : vector<16xi32>
      %add3A_779 = arith.constant 13600 : i32
      %add3A_780 = vector.broadcast %add3A_779 : i32 to vector<16xi32>
      %add3A_781 = arith.addi %add3A_778, %add3A_780 : vector<16xi32>
      %gather3A_782 = tpu.vector_load_idx %arg6[%add3A_781] : memref<27200xf32, #tpu.memory_space<vmem>>[vector<16xi32>], vector<16xf32>,
      %add3A_783 = arith.addf %add3A_724, %gather3A_782 : vector<16xf32>
      %mul3A_784 = arith.constant 136 : i32
      %mul3A_785 = vector.broadcast %mul3A_784 : i32 to vector<16xi32>
      %mul3A_786 = arith.muli %get3A_749, %mul3A_785 : vector<16xi32>
      %add3A_787 = arith.addi %mul3A_786, %add3A_756 : vector<16xi32>
      %add3A_788 = arith.constant 13872 : i32
      %add3A_789 = vector.broadcast %add3A_788 : i32 to vector<16xi32>
      %add3A_790 = arith.addi %add3A_787, %add3A_789 : vector<16xi32>
      %gather3A_791 = tpu.vector_load_idx %arg6[%add3A_790] : memref<27200xf32, #tpu.memory_space<vmem>>[vector<16xi32>], vector<16xf32>,
      %add3A_792 = arith.addf %add3A_733, %gather3A_791 : vector<16xf32>
      %get3A_793 = arith.constant 53 : i32
      %get3A_794 = arith.index_cast %get3A_793 : i32 to index
      %get3A_795 = arith.index_cast %mul3A_16 : i32 to index
      %get3A_796 = tpu.vector_load %arg5[%get3A_794, %get3A_795] {strides = array<i32>} : memref<100x512xi32, #tpu.memory_space<vmem>>, vector<16xi32>,
      %get3A_797 = arith.constant 54 : i32
      %get3A_798 = arith.index_cast %get3A_797 : i32 to index
      %get3A_799 = arith.index_cast %mul3A_16 : i32 to index
      %get3A_800 = tpu.vector_load %arg5[%get3A_798, %get3A_799] {strides = array<i32>} : memref<100x512xi32, #tpu.memory_space<vmem>>, vector<16xi32>,
      %get3A_801 = arith.constant 55 : i32
      %get3A_802 = arith.index_cast %get3A_801 : i32 to index
      %get3A_803 = arith.index_cast %mul3A_16 : i32 to index
      %get3A_804 = tpu.vector_load %arg5[%get3A_802, %get3A_803] {strides = array<i32>} : memref<100x512xi32, #tpu.memory_space<vmem>>, vector<16xi32>,
      %get3A_805 = arith.constant 56 : i32
      %get3A_806 = arith.index_cast %get3A_805 : i32 to index
      %get3A_807 = arith.index_cast %mul3A_16 : i32 to index
      %get3A_808 = tpu.vector_load %arg5[%get3A_806, %get3A_807] {strides = array<i32>} : memref<100x512xi32, #tpu.memory_space<vmem>>, vector<16xi32>,
      %add3A_809 = arith.addi %get3A_796, %get3A_800 : vector<16xi32>
      %add3A_810 = arith.addi %add3A_809, %get3A_804 : vector<16xi32>
      %add3A_811 = arith.addi %add3A_810, %get3A_808 : vector<16xi32>
      %add3A_812 = arith.addi %add3A_756, %get3A_796 : vector<16xi32>
      %add3A_813 = arith.addi %add3A_756, %add3A_809 : vector<16xi32>
      %add3A_814 = arith.addi %add3A_756, %add3A_810 : vector<16xi32>
      %add3A_815 = arith.addi %add3A_756, %add3A_811 : vector<16xi32>
      %mul3A_816 = arith.constant 136 : i32
      %mul3A_817 = vector.broadcast %mul3A_816 : i32 to vector<16xi32>
      %mul3A_818 = arith.muli %get3A_796, %mul3A_817 : vector<16xi32>
      %add3A_819 = arith.addi %mul3A_818, %add3A_812 : vector<16xi32>
      %add3A_820 = arith.constant 14144 : i32
      %add3A_821 = vector.broadcast %add3A_820 : i32 to vector<16xi32>
      %add3A_822 = arith.addi %add3A_819, %add3A_821 : vector<16xi32>
      %gather3A_823 = tpu.vector_load_idx %arg6[%add3A_822] : memref<27200xf32, #tpu.memory_space<vmem>>[vector<16xi32>], vector<16xf32>,
      %add3A_824 = arith.addf %add3A_765, %gather3A_823 : vector<16xf32>
      %mul3A_825 = arith.constant 136 : i32
      %mul3A_826 = vector.broadcast %mul3A_825 : i32 to vector<16xi32>
      %mul3A_827 = arith.muli %get3A_800, %mul3A_826 : vector<16xi32>
      %add3A_828 = arith.addi %mul3A_827, %add3A_813 : vector<16xi32>
      %add3A_829 = arith.constant 14416 : i32
      %add3A_830 = vector.broadcast %add3A_829 : i32 to vector<16xi32>
      %add3A_831 = arith.addi %add3A_828, %add3A_830 : vector<16xi32>
      %gather3A_832 = tpu.vector_load_idx %arg6[%add3A_831] : memref<27200xf32, #tpu.memory_space<vmem>>[vector<16xi32>], vector<16xf32>,
      %add3A_833 = arith.addf %add3A_774, %gather3A_832 : vector<16xf32>
      %mul3A_834 = arith.constant 136 : i32
      %mul3A_835 = vector.broadcast %mul3A_834 : i32 to vector<16xi32>
      %mul3A_836 = arith.muli %get3A_804, %mul3A_835 : vector<16xi32>
      %add3A_837 = arith.addi %mul3A_836, %add3A_814 : vector<16xi32>
      %add3A_838 = arith.constant 14688 : i32
      %add3A_839 = vector.broadcast %add3A_838 : i32 to vector<16xi32>
      %add3A_840 = arith.addi %add3A_837, %add3A_839 : vector<16xi32>
      %gather3A_841 = tpu.vector_load_idx %arg6[%add3A_840] : memref<27200xf32, #tpu.memory_space<vmem>>[vector<16xi32>], vector<16xf32>,
      %add3A_842 = arith.addf %add3A_783, %gather3A_841 : vector<16xf32>
      %mul3A_843 = arith.constant 136 : i32
      %mul3A_844 = vector.broadcast %mul3A_843 : i32 to vector<16xi32>
      %mul3A_845 = arith.muli %get3A_808, %mul3A_844 : vector<16xi32>
      %add3A_846 = arith.addi %mul3A_845, %add3A_815 : vector<16xi32>
      %add3A_847 = arith.constant 14960 : i32
      %add3A_848 = vector.broadcast %add3A_847 : i32 to vector<16xi32>
      %add3A_849 = arith.addi %add3A_846, %add3A_848 : vector<16xi32>
      %gather3A_850 = tpu.vector_load_idx %arg6[%add3A_849] : memref<27200xf32, #tpu.memory_space<vmem>>[vector<16xi32>], vector<16xf32>,
      %add3A_851 = arith.addf %add3A_792, %gather3A_850 : vector<16xf32>
      %get3A_852 = arith.constant 57 : i32
      %get3A_853 = arith.index_cast %get3A_852 : i32 to index
      %get3A_854 = arith.index_cast %mul3A_16 : i32 to index
      %get3A_855 = tpu.vector_load %arg5[%get3A_853, %get3A_854] {strides = array<i32>} : memref<100x512xi32, #tpu.memory_space<vmem>>, vector<16xi32>,
      %get3A_856 = arith.constant 58 : i32
      %get3A_857 = arith.index_cast %get3A_856 : i32 to index
      %get3A_858 = arith.index_cast %mul3A_16 : i32 to index
      %get3A_859 = tpu.vector_load %arg5[%get3A_857, %get3A_858] {strides = array<i32>} : memref<100x512xi32, #tpu.memory_space<vmem>>, vector<16xi32>,
      %get3A_860 = arith.constant 59 : i32
      %get3A_861 = arith.index_cast %get3A_860 : i32 to index
      %get3A_862 = arith.index_cast %mul3A_16 : i32 to index
      %get3A_863 = tpu.vector_load %arg5[%get3A_861, %get3A_862] {strides = array<i32>} : memref<100x512xi32, #tpu.memory_space<vmem>>, vector<16xi32>,
      %get3A_864 = arith.constant 60 : i32
      %get3A_865 = arith.index_cast %get3A_864 : i32 to index
      %get3A_866 = arith.index_cast %mul3A_16 : i32 to index
      %get3A_867 = tpu.vector_load %arg5[%get3A_865, %get3A_866] {strides = array<i32>} : memref<100x512xi32, #tpu.memory_space<vmem>>, vector<16xi32>,
      %add3A_868 = arith.addi %get3A_855, %get3A_859 : vector<16xi32>
      %add3A_869 = arith.addi %add3A_868, %get3A_863 : vector<16xi32>
      %add3A_870 = arith.addi %add3A_869, %get3A_867 : vector<16xi32>
      %add3A_871 = arith.addi %add3A_815, %get3A_855 : vector<16xi32>
      %add3A_872 = arith.addi %add3A_815, %add3A_868 : vector<16xi32>
      %add3A_873 = arith.addi %add3A_815, %add3A_869 : vector<16xi32>
      %add3A_874 = arith.addi %add3A_815, %add3A_870 : vector<16xi32>
      %mul3A_875 = arith.constant 136 : i32
      %mul3A_876 = vector.broadcast %mul3A_875 : i32 to vector<16xi32>
      %mul3A_877 = arith.muli %get3A_855, %mul3A_876 : vector<16xi32>
      %add3A_878 = arith.addi %mul3A_877, %add3A_871 : vector<16xi32>
      %add3A_879 = arith.constant 15232 : i32
      %add3A_880 = vector.broadcast %add3A_879 : i32 to vector<16xi32>
      %add3A_881 = arith.addi %add3A_878, %add3A_880 : vector<16xi32>
      %gather3A_882 = tpu.vector_load_idx %arg6[%add3A_881] : memref<27200xf32, #tpu.memory_space<vmem>>[vector<16xi32>], vector<16xf32>,
      %add3A_883 = arith.addf %add3A_824, %gather3A_882 : vector<16xf32>
      %mul3A_884 = arith.constant 136 : i32
      %mul3A_885 = vector.broadcast %mul3A_884 : i32 to vector<16xi32>
      %mul3A_886 = arith.muli %get3A_859, %mul3A_885 : vector<16xi32>
      %add3A_887 = arith.addi %mul3A_886, %add3A_872 : vector<16xi32>
      %add3A_888 = arith.constant 15504 : i32
      %add3A_889 = vector.broadcast %add3A_888 : i32 to vector<16xi32>
      %add3A_890 = arith.addi %add3A_887, %add3A_889 : vector<16xi32>
      %gather3A_891 = tpu.vector_load_idx %arg6[%add3A_890] : memref<27200xf32, #tpu.memory_space<vmem>>[vector<16xi32>], vector<16xf32>,
      %add3A_892 = arith.addf %add3A_833, %gather3A_891 : vector<16xf32>
      %mul3A_893 = arith.constant 136 : i32
      %mul3A_894 = vector.broadcast %mul3A_893 : i32 to vector<16xi32>
      %mul3A_895 = arith.muli %get3A_863, %mul3A_894 : vector<16xi32>
      %add3A_896 = arith.addi %mul3A_895, %add3A_873 : vector<16xi32>
      %add3A_897 = arith.constant 15776 : i32
      %add3A_898 = vector.broadcast %add3A_897 : i32 to vector<16xi32>
      %add3A_899 = arith.addi %add3A_896, %add3A_898 : vector<16xi32>
      %gather3A_900 = tpu.vector_load_idx %arg6[%add3A_899] : memref<27200xf32, #tpu.memory_space<vmem>>[vector<16xi32>], vector<16xf32>,
      %add3A_901 = arith.addf %add3A_842, %gather3A_900 : vector<16xf32>
      %mul3A_902 = arith.constant 136 : i32
      %mul3A_903 = vector.broadcast %mul3A_902 : i32 to vector<16xi32>
      %mul3A_904 = arith.muli %get3A_867, %mul3A_903 : vector<16xi32>
      %add3A_905 = arith.addi %mul3A_904, %add3A_874 : vector<16xi32>
      %add3A_906 = arith.constant 16048 : i32
      %add3A_907 = vector.broadcast %add3A_906 : i32 to vector<16xi32>
      %add3A_908 = arith.addi %add3A_905, %add3A_907 : vector<16xi32>
      %gather3A_909 = tpu.vector_load_idx %arg6[%add3A_908] : memref<27200xf32, #tpu.memory_space<vmem>>[vector<16xi32>], vector<16xf32>,
      %add3A_910 = arith.addf %add3A_851, %gather3A_909 : vector<16xf32>
      %get3A_911 = arith.constant 61 : i32
      %get3A_912 = arith.index_cast %get3A_911 : i32 to index
      %get3A_913 = arith.index_cast %mul3A_16 : i32 to index
      %get3A_914 = tpu.vector_load %arg5[%get3A_912, %get3A_913] {strides = array<i32>} : memref<100x512xi32, #tpu.memory_space<vmem>>, vector<16xi32>,
      %get3A_915 = arith.constant 62 : i32
      %get3A_916 = arith.index_cast %get3A_915 : i32 to index
      %get3A_917 = arith.index_cast %mul3A_16 : i32 to index
      %get3A_918 = tpu.vector_load %arg5[%get3A_916, %get3A_917] {strides = array<i32>} : memref<100x512xi32, #tpu.memory_space<vmem>>, vector<16xi32>,
      %get3A_919 = arith.constant 63 : i32
      %get3A_920 = arith.index_cast %get3A_919 : i32 to index
      %get3A_921 = arith.index_cast %mul3A_16 : i32 to index
      %get3A_922 = tpu.vector_load %arg5[%get3A_920, %get3A_921] {strides = array<i32>} : memref<100x512xi32, #tpu.memory_space<vmem>>, vector<16xi32>,
      %get3A_923 = arith.constant 64 : i32
      %get3A_924 = arith.index_cast %get3A_923 : i32 to index
      %get3A_925 = arith.index_cast %mul3A_16 : i32 to index
      %get3A_926 = tpu.vector_load %arg5[%get3A_924, %get3A_925] {strides = array<i32>} : memref<100x512xi32, #tpu.memory_space<vmem>>, vector<16xi32>,
      %add3A_927 = arith.addi %get3A_914, %get3A_918 : vector<16xi32>
      %add3A_928 = arith.addi %add3A_927, %get3A_922 : vector<16xi32>
      %add3A_929 = arith.addi %add3A_928, %get3A_926 : vector<16xi32>
      %add3A_930 = arith.addi %add3A_874, %get3A_914 : vector<16xi32>
      %add3A_931 = arith.addi %add3A_874, %add3A_927 : vector<16xi32>
      %add3A_932 = arith.addi %add3A_874, %add3A_928 : vector<16xi32>
      %add3A_933 = arith.addi %add3A_874, %add3A_929 : vector<16xi32>
      %mul3A_934 = arith.constant 136 : i32
      %mul3A_935 = vector.broadcast %mul3A_934 : i32 to vector<16xi32>
      %mul3A_936 = arith.muli %get3A_914, %mul3A_935 : vector<16xi32>
      %add3A_937 = arith.addi %mul3A_936, %add3A_930 : vector<16xi32>
      %add3A_938 = arith.constant 16320 : i32
      %add3A_939 = vector.broadcast %add3A_938 : i32 to vector<16xi32>
      %add3A_940 = arith.addi %add3A_937, %add3A_939 : vector<16xi32>
      %gather3A_941 = tpu.vector_load_idx %arg6[%add3A_940] : memref<27200xf32, #tpu.memory_space<vmem>>[vector<16xi32>], vector<16xf32>,
      %add3A_942 = arith.addf %add3A_883, %gather3A_941 : vector<16xf32>
      %mul3A_943 = arith.constant 136 : i32
      %mul3A_944 = vector.broadcast %mul3A_943 : i32 to vector<16xi32>
      %mul3A_945 = arith.muli %get3A_918, %mul3A_944 : vector<16xi32>
      %add3A_946 = arith.addi %mul3A_945, %add3A_931 : vector<16xi32>
      %add3A_947 = arith.constant 16592 : i32
      %add3A_948 = vector.broadcast %add3A_947 : i32 to vector<16xi32>
      %add3A_949 = arith.addi %add3A_946, %add3A_948 : vector<16xi32>
      %gather3A_950 = tpu.vector_load_idx %arg6[%add3A_949] : memref<27200xf32, #tpu.memory_space<vmem>>[vector<16xi32>], vector<16xf32>,
      %add3A_951 = arith.addf %add3A_892, %gather3A_950 : vector<16xf32>
      %mul3A_952 = arith.constant 136 : i32
      %mul3A_953 = vector.broadcast %mul3A_952 : i32 to vector<16xi32>
      %mul3A_954 = arith.muli %get3A_922, %mul3A_953 : vector<16xi32>
      %add3A_955 = arith.addi %mul3A_954, %add3A_932 : vector<16xi32>
      %add3A_956 = arith.constant 16864 : i32
      %add3A_957 = vector.broadcast %add3A_956 : i32 to vector<16xi32>
      %add3A_958 = arith.addi %add3A_955, %add3A_957 : vector<16xi32>
      %gather3A_959 = tpu.vector_load_idx %arg6[%add3A_958] : memref<27200xf32, #tpu.memory_space<vmem>>[vector<16xi32>], vector<16xf32>,
      %add3A_960 = arith.addf %add3A_901, %gather3A_959 : vector<16xf32>
      %mul3A_961 = arith.constant 136 : i32
      %mul3A_962 = vector.broadcast %mul3A_961 : i32 to vector<16xi32>
      %mul3A_963 = arith.muli %get3A_926, %mul3A_962 : vector<16xi32>
      %add3A_964 = arith.addi %mul3A_963, %add3A_933 : vector<16xi32>
      %add3A_965 = arith.constant 17136 : i32
      %add3A_966 = vector.broadcast %add3A_965 : i32 to vector<16xi32>
      %add3A_967 = arith.addi %add3A_964, %add3A_966 : vector<16xi32>
      %gather3A_968 = tpu.vector_load_idx %arg6[%add3A_967] : memref<27200xf32, #tpu.memory_space<vmem>>[vector<16xi32>], vector<16xf32>,
      %add3A_969 = arith.addf %add3A_910, %gather3A_968 : vector<16xf32>
      %get3A_970 = arith.constant 65 : i32
      %get3A_971 = arith.index_cast %get3A_970 : i32 to index
      %get3A_972 = arith.index_cast %mul3A_16 : i32 to index
      %get3A_973 = tpu.vector_load %arg5[%get3A_971, %get3A_972] {strides = array<i32>} : memref<100x512xi32, #tpu.memory_space<vmem>>, vector<16xi32>,
      %get3A_974 = arith.constant 66 : i32
      %get3A_975 = arith.index_cast %get3A_974 : i32 to index
      %get3A_976 = arith.index_cast %mul3A_16 : i32 to index
      %get3A_977 = tpu.vector_load %arg5[%get3A_975, %get3A_976] {strides = array<i32>} : memref<100x512xi32, #tpu.memory_space<vmem>>, vector<16xi32>,
      %get3A_978 = arith.constant 67 : i32
      %get3A_979 = arith.index_cast %get3A_978 : i32 to index
      %get3A_980 = arith.index_cast %mul3A_16 : i32 to index
      %get3A_981 = tpu.vector_load %arg5[%get3A_979, %get3A_980] {strides = array<i32>} : memref<100x512xi32, #tpu.memory_space<vmem>>, vector<16xi32>,
      %get3A_982 = arith.constant 68 : i32
      %get3A_983 = arith.index_cast %get3A_982 : i32 to index
      %get3A_984 = arith.index_cast %mul3A_16 : i32 to index
      %get3A_985 = tpu.vector_load %arg5[%get3A_983, %get3A_984] {strides = array<i32>} : memref<100x512xi32, #tpu.memory_space<vmem>>, vector<16xi32>,
      %add3A_986 = arith.addi %get3A_973, %get3A_977 : vector<16xi32>
      %add3A_987 = arith.addi %add3A_986, %get3A_981 : vector<16xi32>
      %add3A_988 = arith.addi %add3A_987, %get3A_985 : vector<16xi32>
      %add3A_989 = arith.addi %add3A_933, %get3A_973 : vector<16xi32>
      %add3A_990 = arith.addi %add3A_933, %add3A_986 : vector<16xi32>
      %add3A_991 = arith.addi %add3A_933, %add3A_987 : vector<16xi32>
      %add3A_992 = arith.addi %add3A_933, %add3A_988 : vector<16xi32>
      %mul3A_993 = arith.constant 136 : i32
      %mul3A_994 = vector.broadcast %mul3A_993 : i32 to vector<16xi32>
      %mul3A_995 = arith.muli %get3A_973, %mul3A_994 : vector<16xi32>
      %add3A_996 = arith.addi %mul3A_995, %add3A_989 : vector<16xi32>
      %add3A_997 = arith.constant 17408 : i32
      %add3A_998 = vector.broadcast %add3A_997 : i32 to vector<16xi32>
      %add3A_999 = arith.addi %add3A_996, %add3A_998 : vector<16xi32>
      %gather3A_1000 = tpu.vector_load_idx %arg6[%add3A_999] : memref<27200xf32, #tpu.memory_space<vmem>>[vector<16xi32>], vector<16xf32>,
      %add3A_1001 = arith.addf %add3A_942, %gather3A_1000 : vector<16xf32>
      %mul3A_1002 = arith.constant 136 : i32
      %mul3A_1003 = vector.broadcast %mul3A_1002 : i32 to vector<16xi32>
      %mul3A_1004 = arith.muli %get3A_977, %mul3A_1003 : vector<16xi32>
      %add3A_1005 = arith.addi %mul3A_1004, %add3A_990 : vector<16xi32>
      %add3A_1006 = arith.constant 17680 : i32
      %add3A_1007 = vector.broadcast %add3A_1006 : i32 to vector<16xi32>
      %add3A_1008 = arith.addi %add3A_1005, %add3A_1007 : vector<16xi32>
      %gather3A_1009 = tpu.vector_load_idx %arg6[%add3A_1008] : memref<27200xf32, #tpu.memory_space<vmem>>[vector<16xi32>], vector<16xf32>,
      %add3A_1010 = arith.addf %add3A_951, %gather3A_1009 : vector<16xf32>
      %mul3A_1011 = arith.constant 136 : i32
      %mul3A_1012 = vector.broadcast %mul3A_1011 : i32 to vector<16xi32>
      %mul3A_1013 = arith.muli %get3A_981, %mul3A_1012 : vector<16xi32>
      %add3A_1014 = arith.addi %mul3A_1013, %add3A_991 : vector<16xi32>
      %add3A_1015 = arith.constant 17952 : i32
      %add3A_1016 = vector.broadcast %add3A_1015 : i32 to vector<16xi32>
      %add3A_1017 = arith.addi %add3A_1014, %add3A_1016 : vector<16xi32>
      %gather3A_1018 = tpu.vector_load_idx %arg6[%add3A_1017] : memref<27200xf32, #tpu.memory_space<vmem>>[vector<16xi32>], vector<16xf32>,
      %add3A_1019 = arith.addf %add3A_960, %gather3A_1018 : vector<16xf32>
      %mul3A_1020 = arith.constant 136 : i32
      %mul3A_1021 = vector.broadcast %mul3A_1020 : i32 to vector<16xi32>
      %mul3A_1022 = arith.muli %get3A_985, %mul3A_1021 : vector<16xi32>
      %add3A_1023 = arith.addi %mul3A_1022, %add3A_992 : vector<16xi32>
      %add3A_1024 = arith.constant 18224 : i32
      %add3A_1025 = vector.broadcast %add3A_1024 : i32 to vector<16xi32>
      %add3A_1026 = arith.addi %add3A_1023, %add3A_1025 : vector<16xi32>
      %gather3A_1027 = tpu.vector_load_idx %arg6[%add3A_1026] : memref<27200xf32, #tpu.memory_space<vmem>>[vector<16xi32>], vector<16xf32>,
      %add3A_1028 = arith.addf %add3A_969, %gather3A_1027 : vector<16xf32>
      %get3A_1029 = arith.constant 69 : i32
      %get3A_1030 = arith.index_cast %get3A_1029 : i32 to index
      %get3A_1031 = arith.index_cast %mul3A_16 : i32 to index
      %get3A_1032 = tpu.vector_load %arg5[%get3A_1030, %get3A_1031] {strides = array<i32>} : memref<100x512xi32, #tpu.memory_space<vmem>>, vector<16xi32>,
      %get3A_1033 = arith.constant 70 : i32
      %get3A_1034 = arith.index_cast %get3A_1033 : i32 to index
      %get3A_1035 = arith.index_cast %mul3A_16 : i32 to index
      %get3A_1036 = tpu.vector_load %arg5[%get3A_1034, %get3A_1035] {strides = array<i32>} : memref<100x512xi32, #tpu.memory_space<vmem>>, vector<16xi32>,
      %get3A_1037 = arith.constant 71 : i32
      %get3A_1038 = arith.index_cast %get3A_1037 : i32 to index
      %get3A_1039 = arith.index_cast %mul3A_16 : i32 to index
      %get3A_1040 = tpu.vector_load %arg5[%get3A_1038, %get3A_1039] {strides = array<i32>} : memref<100x512xi32, #tpu.memory_space<vmem>>, vector<16xi32>,
      %get3A_1041 = arith.constant 72 : i32
      %get3A_1042 = arith.index_cast %get3A_1041 : i32 to index
      %get3A_1043 = arith.index_cast %mul3A_16 : i32 to index
      %get3A_1044 = tpu.vector_load %arg5[%get3A_1042, %get3A_1043] {strides = array<i32>} : memref<100x512xi32, #tpu.memory_space<vmem>>, vector<16xi32>,
      %add3A_1045 = arith.addi %get3A_1032, %get3A_1036 : vector<16xi32>
      %add3A_1046 = arith.addi %add3A_1045, %get3A_1040 : vector<16xi32>
      %add3A_1047 = arith.addi %add3A_1046, %get3A_1044 : vector<16xi32>
      %add3A_1048 = arith.addi %add3A_992, %get3A_1032 : vector<16xi32>
      %add3A_1049 = arith.addi %add3A_992, %add3A_1045 : vector<16xi32>
      %add3A_1050 = arith.addi %add3A_992, %add3A_1046 : vector<16xi32>
      %add3A_1051 = arith.addi %add3A_992, %add3A_1047 : vector<16xi32>
      %mul3A_1052 = arith.constant 136 : i32
      %mul3A_1053 = vector.broadcast %mul3A_1052 : i32 to vector<16xi32>
      %mul3A_1054 = arith.muli %get3A_1032, %mul3A_1053 : vector<16xi32>
      %add3A_1055 = arith.addi %mul3A_1054, %add3A_1048 : vector<16xi32>
      %add3A_1056 = arith.constant 18496 : i32
      %add3A_1057 = vector.broadcast %add3A_1056 : i32 to vector<16xi32>
      %add3A_1058 = arith.addi %add3A_1055, %add3A_1057 : vector<16xi32>
      %gather3A_1059 = tpu.vector_load_idx %arg6[%add3A_1058] : memref<27200xf32, #tpu.memory_space<vmem>>[vector<16xi32>], vector<16xf32>,
      %add3A_1060 = arith.addf %add3A_1001, %gather3A_1059 : vector<16xf32>
      %mul3A_1061 = arith.constant 136 : i32
      %mul3A_1062 = vector.broadcast %mul3A_1061 : i32 to vector<16xi32>
      %mul3A_1063 = arith.muli %get3A_1036, %mul3A_1062 : vector<16xi32>
      %add3A_1064 = arith.addi %mul3A_1063, %add3A_1049 : vector<16xi32>
      %add3A_1065 = arith.constant 18768 : i32
      %add3A_1066 = vector.broadcast %add3A_1065 : i32 to vector<16xi32>
      %add3A_1067 = arith.addi %add3A_1064, %add3A_1066 : vector<16xi32>
      %gather3A_1068 = tpu.vector_load_idx %arg6[%add3A_1067] : memref<27200xf32, #tpu.memory_space<vmem>>[vector<16xi32>], vector<16xf32>,
      %add3A_1069 = arith.addf %add3A_1010, %gather3A_1068 : vector<16xf32>
      %mul3A_1070 = arith.constant 136 : i32
      %mul3A_1071 = vector.broadcast %mul3A_1070 : i32 to vector<16xi32>
      %mul3A_1072 = arith.muli %get3A_1040, %mul3A_1071 : vector<16xi32>
      %add3A_1073 = arith.addi %mul3A_1072, %add3A_1050 : vector<16xi32>
      %add3A_1074 = arith.constant 19040 : i32
      %add3A_1075 = vector.broadcast %add3A_1074 : i32 to vector<16xi32>
      %add3A_1076 = arith.addi %add3A_1073, %add3A_1075 : vector<16xi32>
      %gather3A_1077 = tpu.vector_load_idx %arg6[%add3A_1076] : memref<27200xf32, #tpu.memory_space<vmem>>[vector<16xi32>], vector<16xf32>,
      %add3A_1078 = arith.addf %add3A_1019, %gather3A_1077 : vector<16xf32>
      %mul3A_1079 = arith.constant 136 : i32
      %mul3A_1080 = vector.broadcast %mul3A_1079 : i32 to vector<16xi32>
      %mul3A_1081 = arith.muli %get3A_1044, %mul3A_1080 : vector<16xi32>
      %add3A_1082 = arith.addi %mul3A_1081, %add3A_1051 : vector<16xi32>
      %add3A_1083 = arith.constant 19312 : i32
      %add3A_1084 = vector.broadcast %add3A_1083 : i32 to vector<16xi32>
      %add3A_1085 = arith.addi %add3A_1082, %add3A_1084 : vector<16xi32>
      %gather3A_1086 = tpu.vector_load_idx %arg6[%add3A_1085] : memref<27200xf32, #tpu.memory_space<vmem>>[vector<16xi32>], vector<16xf32>,
      %add3A_1087 = arith.addf %add3A_1028, %gather3A_1086 : vector<16xf32>
      %get3A_1088 = arith.constant 73 : i32
      %get3A_1089 = arith.index_cast %get3A_1088 : i32 to index
      %get3A_1090 = arith.index_cast %mul3A_16 : i32 to index
      %get3A_1091 = tpu.vector_load %arg5[%get3A_1089, %get3A_1090] {strides = array<i32>} : memref<100x512xi32, #tpu.memory_space<vmem>>, vector<16xi32>,
      %get3A_1092 = arith.constant 74 : i32
      %get3A_1093 = arith.index_cast %get3A_1092 : i32 to index
      %get3A_1094 = arith.index_cast %mul3A_16 : i32 to index
      %get3A_1095 = tpu.vector_load %arg5[%get3A_1093, %get3A_1094] {strides = array<i32>} : memref<100x512xi32, #tpu.memory_space<vmem>>, vector<16xi32>,
      %get3A_1096 = arith.constant 75 : i32
      %get3A_1097 = arith.index_cast %get3A_1096 : i32 to index
      %get3A_1098 = arith.index_cast %mul3A_16 : i32 to index
      %get3A_1099 = tpu.vector_load %arg5[%get3A_1097, %get3A_1098] {strides = array<i32>} : memref<100x512xi32, #tpu.memory_space<vmem>>, vector<16xi32>,
      %get3A_1100 = arith.constant 76 : i32
      %get3A_1101 = arith.index_cast %get3A_1100 : i32 to index
      %get3A_1102 = arith.index_cast %mul3A_16 : i32 to index
      %get3A_1103 = tpu.vector_load %arg5[%get3A_1101, %get3A_1102] {strides = array<i32>} : memref<100x512xi32, #tpu.memory_space<vmem>>, vector<16xi32>,
      %add3A_1104 = arith.addi %get3A_1091, %get3A_1095 : vector<16xi32>
      %add3A_1105 = arith.addi %add3A_1104, %get3A_1099 : vector<16xi32>
      %add3A_1106 = arith.addi %add3A_1105, %get3A_1103 : vector<16xi32>
      %add3A_1107 = arith.addi %add3A_1051, %get3A_1091 : vector<16xi32>
      %add3A_1108 = arith.addi %add3A_1051, %add3A_1104 : vector<16xi32>
      %add3A_1109 = arith.addi %add3A_1051, %add3A_1105 : vector<16xi32>
      %add3A_1110 = arith.addi %add3A_1051, %add3A_1106 : vector<16xi32>
      %mul3A_1111 = arith.constant 136 : i32
      %mul3A_1112 = vector.broadcast %mul3A_1111 : i32 to vector<16xi32>
      %mul3A_1113 = arith.muli %get3A_1091, %mul3A_1112 : vector<16xi32>
      %add3A_1114 = arith.addi %mul3A_1113, %add3A_1107 : vector<16xi32>
      %add3A_1115 = arith.constant 19584 : i32
      %add3A_1116 = vector.broadcast %add3A_1115 : i32 to vector<16xi32>
      %add3A_1117 = arith.addi %add3A_1114, %add3A_1116 : vector<16xi32>
      %gather3A_1118 = tpu.vector_load_idx %arg6[%add3A_1117] : memref<27200xf32, #tpu.memory_space<vmem>>[vector<16xi32>], vector<16xf32>,
      %add3A_1119 = arith.addf %add3A_1060, %gather3A_1118 : vector<16xf32>
      %mul3A_1120 = arith.constant 136 : i32
      %mul3A_1121 = vector.broadcast %mul3A_1120 : i32 to vector<16xi32>
      %mul3A_1122 = arith.muli %get3A_1095, %mul3A_1121 : vector<16xi32>
      %add3A_1123 = arith.addi %mul3A_1122, %add3A_1108 : vector<16xi32>
      %add3A_1124 = arith.constant 19856 : i32
      %add3A_1125 = vector.broadcast %add3A_1124 : i32 to vector<16xi32>
      %add3A_1126 = arith.addi %add3A_1123, %add3A_1125 : vector<16xi32>
      %gather3A_1127 = tpu.vector_load_idx %arg6[%add3A_1126] : memref<27200xf32, #tpu.memory_space<vmem>>[vector<16xi32>], vector<16xf32>,
      %add3A_1128 = arith.addf %add3A_1069, %gather3A_1127 : vector<16xf32>
      %mul3A_1129 = arith.constant 136 : i32
      %mul3A_1130 = vector.broadcast %mul3A_1129 : i32 to vector<16xi32>
      %mul3A_1131 = arith.muli %get3A_1099, %mul3A_1130 : vector<16xi32>
      %add3A_1132 = arith.addi %mul3A_1131, %add3A_1109 : vector<16xi32>
      %add3A_1133 = arith.constant 20128 : i32
      %add3A_1134 = vector.broadcast %add3A_1133 : i32 to vector<16xi32>
      %add3A_1135 = arith.addi %add3A_1132, %add3A_1134 : vector<16xi32>
      %gather3A_1136 = tpu.vector_load_idx %arg6[%add3A_1135] : memref<27200xf32, #tpu.memory_space<vmem>>[vector<16xi32>], vector<16xf32>,
      %add3A_1137 = arith.addf %add3A_1078, %gather3A_1136 : vector<16xf32>
      %mul3A_1138 = arith.constant 136 : i32
      %mul3A_1139 = vector.broadcast %mul3A_1138 : i32 to vector<16xi32>
      %mul3A_1140 = arith.muli %get3A_1103, %mul3A_1139 : vector<16xi32>
      %add3A_1141 = arith.addi %mul3A_1140, %add3A_1110 : vector<16xi32>
      %add3A_1142 = arith.constant 20400 : i32
      %add3A_1143 = vector.broadcast %add3A_1142 : i32 to vector<16xi32>
      %add3A_1144 = arith.addi %add3A_1141, %add3A_1143 : vector<16xi32>
      %gather3A_1145 = tpu.vector_load_idx %arg6[%add3A_1144] : memref<27200xf32, #tpu.memory_space<vmem>>[vector<16xi32>], vector<16xf32>,
      %add3A_1146 = arith.addf %add3A_1087, %gather3A_1145 : vector<16xf32>
      %get3A_1147 = arith.constant 77 : i32
      %get3A_1148 = arith.index_cast %get3A_1147 : i32 to index
      %get3A_1149 = arith.index_cast %mul3A_16 : i32 to index
      %get3A_1150 = tpu.vector_load %arg5[%get3A_1148, %get3A_1149] {strides = array<i32>} : memref<100x512xi32, #tpu.memory_space<vmem>>, vector<16xi32>,
      %get3A_1151 = arith.constant 78 : i32
      %get3A_1152 = arith.index_cast %get3A_1151 : i32 to index
      %get3A_1153 = arith.index_cast %mul3A_16 : i32 to index
      %get3A_1154 = tpu.vector_load %arg5[%get3A_1152, %get3A_1153] {strides = array<i32>} : memref<100x512xi32, #tpu.memory_space<vmem>>, vector<16xi32>,
      %get3A_1155 = arith.constant 79 : i32
      %get3A_1156 = arith.index_cast %get3A_1155 : i32 to index
      %get3A_1157 = arith.index_cast %mul3A_16 : i32 to index
      %get3A_1158 = tpu.vector_load %arg5[%get3A_1156, %get3A_1157] {strides = array<i32>} : memref<100x512xi32, #tpu.memory_space<vmem>>, vector<16xi32>,
      %get3A_1159 = arith.constant 80 : i32
      %get3A_1160 = arith.index_cast %get3A_1159 : i32 to index
      %get3A_1161 = arith.index_cast %mul3A_16 : i32 to index
      %get3A_1162 = tpu.vector_load %arg5[%get3A_1160, %get3A_1161] {strides = array<i32>} : memref<100x512xi32, #tpu.memory_space<vmem>>, vector<16xi32>,
      %add3A_1163 = arith.addi %get3A_1150, %get3A_1154 : vector<16xi32>
      %add3A_1164 = arith.addi %add3A_1163, %get3A_1158 : vector<16xi32>
      %add3A_1165 = arith.addi %add3A_1164, %get3A_1162 : vector<16xi32>
      %add3A_1166 = arith.addi %add3A_1110, %get3A_1150 : vector<16xi32>
      %add3A_1167 = arith.addi %add3A_1110, %add3A_1163 : vector<16xi32>
      %add3A_1168 = arith.addi %add3A_1110, %add3A_1164 : vector<16xi32>
      %add3A_1169 = arith.addi %add3A_1110, %add3A_1165 : vector<16xi32>
      %mul3A_1170 = arith.constant 136 : i32
      %mul3A_1171 = vector.broadcast %mul3A_1170 : i32 to vector<16xi32>
      %mul3A_1172 = arith.muli %get3A_1150, %mul3A_1171 : vector<16xi32>
      %add3A_1173 = arith.addi %mul3A_1172, %add3A_1166 : vector<16xi32>
      %add3A_1174 = arith.constant 20672 : i32
      %add3A_1175 = vector.broadcast %add3A_1174 : i32 to vector<16xi32>
      %add3A_1176 = arith.addi %add3A_1173, %add3A_1175 : vector<16xi32>
      %gather3A_1177 = tpu.vector_load_idx %arg6[%add3A_1176] : memref<27200xf32, #tpu.memory_space<vmem>>[vector<16xi32>], vector<16xf32>,
      %add3A_1178 = arith.addf %add3A_1119, %gather3A_1177 : vector<16xf32>
      %mul3A_1179 = arith.constant 136 : i32
      %mul3A_1180 = vector.broadcast %mul3A_1179 : i32 to vector<16xi32>
      %mul3A_1181 = arith.muli %get3A_1154, %mul3A_1180 : vector<16xi32>
      %add3A_1182 = arith.addi %mul3A_1181, %add3A_1167 : vector<16xi32>
      %add3A_1183 = arith.constant 20944 : i32
      %add3A_1184 = vector.broadcast %add3A_1183 : i32 to vector<16xi32>
      %add3A_1185 = arith.addi %add3A_1182, %add3A_1184 : vector<16xi32>
      %gather3A_1186 = tpu.vector_load_idx %arg6[%add3A_1185] : memref<27200xf32, #tpu.memory_space<vmem>>[vector<16xi32>], vector<16xf32>,
      %add3A_1187 = arith.addf %add3A_1128, %gather3A_1186 : vector<16xf32>
      %mul3A_1188 = arith.constant 136 : i32
      %mul3A_1189 = vector.broadcast %mul3A_1188 : i32 to vector<16xi32>
      %mul3A_1190 = arith.muli %get3A_1158, %mul3A_1189 : vector<16xi32>
      %add3A_1191 = arith.addi %mul3A_1190, %add3A_1168 : vector<16xi32>
      %add3A_1192 = arith.constant 21216 : i32
      %add3A_1193 = vector.broadcast %add3A_1192 : i32 to vector<16xi32>
      %add3A_1194 = arith.addi %add3A_1191, %add3A_1193 : vector<16xi32>
      %gather3A_1195 = tpu.vector_load_idx %arg6[%add3A_1194] : memref<27200xf32, #tpu.memory_space<vmem>>[vector<16xi32>], vector<16xf32>,
      %add3A_1196 = arith.addf %add3A_1137, %gather3A_1195 : vector<16xf32>
      %mul3A_1197 = arith.constant 136 : i32
      %mul3A_1198 = vector.broadcast %mul3A_1197 : i32 to vector<16xi32>
      %mul3A_1199 = arith.muli %get3A_1162, %mul3A_1198 : vector<16xi32>
      %add3A_1200 = arith.addi %mul3A_1199, %add3A_1169 : vector<16xi32>
      %add3A_1201 = arith.constant 21488 : i32
      %add3A_1202 = vector.broadcast %add3A_1201 : i32 to vector<16xi32>
      %add3A_1203 = arith.addi %add3A_1200, %add3A_1202 : vector<16xi32>
      %gather3A_1204 = tpu.vector_load_idx %arg6[%add3A_1203] : memref<27200xf32, #tpu.memory_space<vmem>>[vector<16xi32>], vector<16xf32>,
      %add3A_1205 = arith.addf %add3A_1146, %gather3A_1204 : vector<16xf32>
      %get3A_1206 = arith.constant 81 : i32
      %get3A_1207 = arith.index_cast %get3A_1206 : i32 to index
      %get3A_1208 = arith.index_cast %mul3A_16 : i32 to index
      %get3A_1209 = tpu.vector_load %arg5[%get3A_1207, %get3A_1208] {strides = array<i32>} : memref<100x512xi32, #tpu.memory_space<vmem>>, vector<16xi32>,
      %get3A_1210 = arith.constant 82 : i32
      %get3A_1211 = arith.index_cast %get3A_1210 : i32 to index
      %get3A_1212 = arith.index_cast %mul3A_16 : i32 to index
      %get3A_1213 = tpu.vector_load %arg5[%get3A_1211, %get3A_1212] {strides = array<i32>} : memref<100x512xi32, #tpu.memory_space<vmem>>, vector<16xi32>,
      %get3A_1214 = arith.constant 83 : i32
      %get3A_1215 = arith.index_cast %get3A_1214 : i32 to index
      %get3A_1216 = arith.index_cast %mul3A_16 : i32 to index
      %get3A_1217 = tpu.vector_load %arg5[%get3A_1215, %get3A_1216] {strides = array<i32>} : memref<100x512xi32, #tpu.memory_space<vmem>>, vector<16xi32>,
      %get3A_1218 = arith.constant 84 : i32
      %get3A_1219 = arith.index_cast %get3A_1218 : i32 to index
      %get3A_1220 = arith.index_cast %mul3A_16 : i32 to index
      %get3A_1221 = tpu.vector_load %arg5[%get3A_1219, %get3A_1220] {strides = array<i32>} : memref<100x512xi32, #tpu.memory_space<vmem>>, vector<16xi32>,
      %add3A_1222 = arith.addi %get3A_1209, %get3A_1213 : vector<16xi32>
      %add3A_1223 = arith.addi %add3A_1222, %get3A_1217 : vector<16xi32>
      %add3A_1224 = arith.addi %add3A_1223, %get3A_1221 : vector<16xi32>
      %add3A_1225 = arith.addi %add3A_1169, %get3A_1209 : vector<16xi32>
      %add3A_1226 = arith.addi %add3A_1169, %add3A_1222 : vector<16xi32>
      %add3A_1227 = arith.addi %add3A_1169, %add3A_1223 : vector<16xi32>
      %add3A_1228 = arith.addi %add3A_1169, %add3A_1224 : vector<16xi32>
      %mul3A_1229 = arith.constant 136 : i32
      %mul3A_1230 = vector.broadcast %mul3A_1229 : i32 to vector<16xi32>
      %mul3A_1231 = arith.muli %get3A_1209, %mul3A_1230 : vector<16xi32>
      %add3A_1232 = arith.addi %mul3A_1231, %add3A_1225 : vector<16xi32>
      %add3A_1233 = arith.constant 21760 : i32
      %add3A_1234 = vector.broadcast %add3A_1233 : i32 to vector<16xi32>
      %add3A_1235 = arith.addi %add3A_1232, %add3A_1234 : vector<16xi32>
      %gather3A_1236 = tpu.vector_load_idx %arg6[%add3A_1235] : memref<27200xf32, #tpu.memory_space<vmem>>[vector<16xi32>], vector<16xf32>,
      %add3A_1237 = arith.addf %add3A_1178, %gather3A_1236 : vector<16xf32>
      %mul3A_1238 = arith.constant 136 : i32
      %mul3A_1239 = vector.broadcast %mul3A_1238 : i32 to vector<16xi32>
      %mul3A_1240 = arith.muli %get3A_1213, %mul3A_1239 : vector<16xi32>
      %add3A_1241 = arith.addi %mul3A_1240, %add3A_1226 : vector<16xi32>
      %add3A_1242 = arith.constant 22032 : i32
      %add3A_1243 = vector.broadcast %add3A_1242 : i32 to vector<16xi32>
      %add3A_1244 = arith.addi %add3A_1241, %add3A_1243 : vector<16xi32>
      %gather3A_1245 = tpu.vector_load_idx %arg6[%add3A_1244] : memref<27200xf32, #tpu.memory_space<vmem>>[vector<16xi32>], vector<16xf32>,
      %add3A_1246 = arith.addf %add3A_1187, %gather3A_1245 : vector<16xf32>
      %mul3A_1247 = arith.constant 136 : i32
      %mul3A_1248 = vector.broadcast %mul3A_1247 : i32 to vector<16xi32>
      %mul3A_1249 = arith.muli %get3A_1217, %mul3A_1248 : vector<16xi32>
      %add3A_1250 = arith.addi %mul3A_1249, %add3A_1227 : vector<16xi32>
      %add3A_1251 = arith.constant 22304 : i32
      %add3A_1252 = vector.broadcast %add3A_1251 : i32 to vector<16xi32>
      %add3A_1253 = arith.addi %add3A_1250, %add3A_1252 : vector<16xi32>
      %gather3A_1254 = tpu.vector_load_idx %arg6[%add3A_1253] : memref<27200xf32, #tpu.memory_space<vmem>>[vector<16xi32>], vector<16xf32>,
      %add3A_1255 = arith.addf %add3A_1196, %gather3A_1254 : vector<16xf32>
      %mul3A_1256 = arith.constant 136 : i32
      %mul3A_1257 = vector.broadcast %mul3A_1256 : i32 to vector<16xi32>
      %mul3A_1258 = arith.muli %get3A_1221, %mul3A_1257 : vector<16xi32>
      %add3A_1259 = arith.addi %mul3A_1258, %add3A_1228 : vector<16xi32>
      %add3A_1260 = arith.constant 22576 : i32
      %add3A_1261 = vector.broadcast %add3A_1260 : i32 to vector<16xi32>
      %add3A_1262 = arith.addi %add3A_1259, %add3A_1261 : vector<16xi32>
      %gather3A_1263 = tpu.vector_load_idx %arg6[%add3A_1262] : memref<27200xf32, #tpu.memory_space<vmem>>[vector<16xi32>], vector<16xf32>,
      %add3A_1264 = arith.addf %add3A_1205, %gather3A_1263 : vector<16xf32>
      %get3A_1265 = arith.constant 85 : i32
      %get3A_1266 = arith.index_cast %get3A_1265 : i32 to index
      %get3A_1267 = arith.index_cast %mul3A_16 : i32 to index
      %get3A_1268 = tpu.vector_load %arg5[%get3A_1266, %get3A_1267] {strides = array<i32>} : memref<100x512xi32, #tpu.memory_space<vmem>>, vector<16xi32>,
      %get3A_1269 = arith.constant 86 : i32
      %get3A_1270 = arith.index_cast %get3A_1269 : i32 to index
      %get3A_1271 = arith.index_cast %mul3A_16 : i32 to index
      %get3A_1272 = tpu.vector_load %arg5[%get3A_1270, %get3A_1271] {strides = array<i32>} : memref<100x512xi32, #tpu.memory_space<vmem>>, vector<16xi32>,
      %get3A_1273 = arith.constant 87 : i32
      %get3A_1274 = arith.index_cast %get3A_1273 : i32 to index
      %get3A_1275 = arith.index_cast %mul3A_16 : i32 to index
      %get3A_1276 = tpu.vector_load %arg5[%get3A_1274, %get3A_1275] {strides = array<i32>} : memref<100x512xi32, #tpu.memory_space<vmem>>, vector<16xi32>,
      %get3A_1277 = arith.constant 88 : i32
      %get3A_1278 = arith.index_cast %get3A_1277 : i32 to index
      %get3A_1279 = arith.index_cast %mul3A_16 : i32 to index
      %get3A_1280 = tpu.vector_load %arg5[%get3A_1278, %get3A_1279] {strides = array<i32>} : memref<100x512xi32, #tpu.memory_space<vmem>>, vector<16xi32>,
      %add3A_1281 = arith.addi %get3A_1268, %get3A_1272 : vector<16xi32>
      %add3A_1282 = arith.addi %add3A_1281, %get3A_1276 : vector<16xi32>
      %add3A_1283 = arith.addi %add3A_1282, %get3A_1280 : vector<16xi32>
      %add3A_1284 = arith.addi %add3A_1228, %get3A_1268 : vector<16xi32>
      %add3A_1285 = arith.addi %add3A_1228, %add3A_1281 : vector<16xi32>
      %add3A_1286 = arith.addi %add3A_1228, %add3A_1282 : vector<16xi32>
      %add3A_1287 = arith.addi %add3A_1228, %add3A_1283 : vector<16xi32>
      %mul3A_1288 = arith.constant 136 : i32
      %mul3A_1289 = vector.broadcast %mul3A_1288 : i32 to vector<16xi32>
      %mul3A_1290 = arith.muli %get3A_1268, %mul3A_1289 : vector<16xi32>
      %add3A_1291 = arith.addi %mul3A_1290, %add3A_1284 : vector<16xi32>
      %add3A_1292 = arith.constant 22848 : i32
      %add3A_1293 = vector.broadcast %add3A_1292 : i32 to vector<16xi32>
      %add3A_1294 = arith.addi %add3A_1291, %add3A_1293 : vector<16xi32>
      %gather3A_1295 = tpu.vector_load_idx %arg6[%add3A_1294] : memref<27200xf32, #tpu.memory_space<vmem>>[vector<16xi32>], vector<16xf32>,
      %add3A_1296 = arith.addf %add3A_1237, %gather3A_1295 : vector<16xf32>
      %mul3A_1297 = arith.constant 136 : i32
      %mul3A_1298 = vector.broadcast %mul3A_1297 : i32 to vector<16xi32>
      %mul3A_1299 = arith.muli %get3A_1272, %mul3A_1298 : vector<16xi32>
      %add3A_1300 = arith.addi %mul3A_1299, %add3A_1285 : vector<16xi32>
      %add3A_1301 = arith.constant 23120 : i32
      %add3A_1302 = vector.broadcast %add3A_1301 : i32 to vector<16xi32>
      %add3A_1303 = arith.addi %add3A_1300, %add3A_1302 : vector<16xi32>
      %gather3A_1304 = tpu.vector_load_idx %arg6[%add3A_1303] : memref<27200xf32, #tpu.memory_space<vmem>>[vector<16xi32>], vector<16xf32>,
      %add3A_1305 = arith.addf %add3A_1246, %gather3A_1304 : vector<16xf32>
      %mul3A_1306 = arith.constant 136 : i32
      %mul3A_1307 = vector.broadcast %mul3A_1306 : i32 to vector<16xi32>
      %mul3A_1308 = arith.muli %get3A_1276, %mul3A_1307 : vector<16xi32>
      %add3A_1309 = arith.addi %mul3A_1308, %add3A_1286 : vector<16xi32>
      %add3A_1310 = arith.constant 23392 : i32
      %add3A_1311 = vector.broadcast %add3A_1310 : i32 to vector<16xi32>
      %add3A_1312 = arith.addi %add3A_1309, %add3A_1311 : vector<16xi32>
      %gather3A_1313 = tpu.vector_load_idx %arg6[%add3A_1312] : memref<27200xf32, #tpu.memory_space<vmem>>[vector<16xi32>], vector<16xf32>,
      %add3A_1314 = arith.addf %add3A_1255, %gather3A_1313 : vector<16xf32>
      %mul3A_1315 = arith.constant 136 : i32
      %mul3A_1316 = vector.broadcast %mul3A_1315 : i32 to vector<16xi32>
      %mul3A_1317 = arith.muli %get3A_1280, %mul3A_1316 : vector<16xi32>
      %add3A_1318 = arith.addi %mul3A_1317, %add3A_1287 : vector<16xi32>
      %add3A_1319 = arith.constant 23664 : i32
      %add3A_1320 = vector.broadcast %add3A_1319 : i32 to vector<16xi32>
      %add3A_1321 = arith.addi %add3A_1318, %add3A_1320 : vector<16xi32>
      %gather3A_1322 = tpu.vector_load_idx %arg6[%add3A_1321] : memref<27200xf32, #tpu.memory_space<vmem>>[vector<16xi32>], vector<16xf32>,
      %add3A_1323 = arith.addf %add3A_1264, %gather3A_1322 : vector<16xf32>
      %get3A_1324 = arith.constant 89 : i32
      %get3A_1325 = arith.index_cast %get3A_1324 : i32 to index
      %get3A_1326 = arith.index_cast %mul3A_16 : i32 to index
      %get3A_1327 = tpu.vector_load %arg5[%get3A_1325, %get3A_1326] {strides = array<i32>} : memref<100x512xi32, #tpu.memory_space<vmem>>, vector<16xi32>,
      %get3A_1328 = arith.constant 90 : i32
      %get3A_1329 = arith.index_cast %get3A_1328 : i32 to index
      %get3A_1330 = arith.index_cast %mul3A_16 : i32 to index
      %get3A_1331 = tpu.vector_load %arg5[%get3A_1329, %get3A_1330] {strides = array<i32>} : memref<100x512xi32, #tpu.memory_space<vmem>>, vector<16xi32>,
      %get3A_1332 = arith.constant 91 : i32
      %get3A_1333 = arith.index_cast %get3A_1332 : i32 to index
      %get3A_1334 = arith.index_cast %mul3A_16 : i32 to index
      %get3A_1335 = tpu.vector_load %arg5[%get3A_1333, %get3A_1334] {strides = array<i32>} : memref<100x512xi32, #tpu.memory_space<vmem>>, vector<16xi32>,
      %get3A_1336 = arith.constant 92 : i32
      %get3A_1337 = arith.index_cast %get3A_1336 : i32 to index
      %get3A_1338 = arith.index_cast %mul3A_16 : i32 to index
      %get3A_1339 = tpu.vector_load %arg5[%get3A_1337, %get3A_1338] {strides = array<i32>} : memref<100x512xi32, #tpu.memory_space<vmem>>, vector<16xi32>,
      %add3A_1340 = arith.addi %get3A_1327, %get3A_1331 : vector<16xi32>
      %add3A_1341 = arith.addi %add3A_1340, %get3A_1335 : vector<16xi32>
      %add3A_1342 = arith.addi %add3A_1341, %get3A_1339 : vector<16xi32>
      %add3A_1343 = arith.addi %add3A_1287, %get3A_1327 : vector<16xi32>
      %add3A_1344 = arith.addi %add3A_1287, %add3A_1340 : vector<16xi32>
      %add3A_1345 = arith.addi %add3A_1287, %add3A_1341 : vector<16xi32>
      %add3A_1346 = arith.addi %add3A_1287, %add3A_1342 : vector<16xi32>
      %mul3A_1347 = arith.constant 136 : i32
      %mul3A_1348 = vector.broadcast %mul3A_1347 : i32 to vector<16xi32>
      %mul3A_1349 = arith.muli %get3A_1327, %mul3A_1348 : vector<16xi32>
      %add3A_1350 = arith.addi %mul3A_1349, %add3A_1343 : vector<16xi32>
      %add3A_1351 = arith.constant 23936 : i32
      %add3A_1352 = vector.broadcast %add3A_1351 : i32 to vector<16xi32>
      %add3A_1353 = arith.addi %add3A_1350, %add3A_1352 : vector<16xi32>
      %gather3A_1354 = tpu.vector_load_idx %arg6[%add3A_1353] : memref<27200xf32, #tpu.memory_space<vmem>>[vector<16xi32>], vector<16xf32>,
      %add3A_1355 = arith.addf %add3A_1296, %gather3A_1354 : vector<16xf32>
      %mul3A_1356 = arith.constant 136 : i32
      %mul3A_1357 = vector.broadcast %mul3A_1356 : i32 to vector<16xi32>
      %mul3A_1358 = arith.muli %get3A_1331, %mul3A_1357 : vector<16xi32>
      %add3A_1359 = arith.addi %mul3A_1358, %add3A_1344 : vector<16xi32>
      %add3A_1360 = arith.constant 24208 : i32
      %add3A_1361 = vector.broadcast %add3A_1360 : i32 to vector<16xi32>
      %add3A_1362 = arith.addi %add3A_1359, %add3A_1361 : vector<16xi32>
      %gather3A_1363 = tpu.vector_load_idx %arg6[%add3A_1362] : memref<27200xf32, #tpu.memory_space<vmem>>[vector<16xi32>], vector<16xf32>,
      %add3A_1364 = arith.addf %add3A_1305, %gather3A_1363 : vector<16xf32>
      %mul3A_1365 = arith.constant 136 : i32
      %mul3A_1366 = vector.broadcast %mul3A_1365 : i32 to vector<16xi32>
      %mul3A_1367 = arith.muli %get3A_1335, %mul3A_1366 : vector<16xi32>
      %add3A_1368 = arith.addi %mul3A_1367, %add3A_1345 : vector<16xi32>
      %add3A_1369 = arith.constant 24480 : i32
      %add3A_1370 = vector.broadcast %add3A_1369 : i32 to vector<16xi32>
      %add3A_1371 = arith.addi %add3A_1368, %add3A_1370 : vector<16xi32>
      %gather3A_1372 = tpu.vector_load_idx %arg6[%add3A_1371] : memref<27200xf32, #tpu.memory_space<vmem>>[vector<16xi32>], vector<16xf32>,
      %add3A_1373 = arith.addf %add3A_1314, %gather3A_1372 : vector<16xf32>
      %mul3A_1374 = arith.constant 136 : i32
      %mul3A_1375 = vector.broadcast %mul3A_1374 : i32 to vector<16xi32>
      %mul3A_1376 = arith.muli %get3A_1339, %mul3A_1375 : vector<16xi32>
      %add3A_1377 = arith.addi %mul3A_1376, %add3A_1346 : vector<16xi32>
      %add3A_1378 = arith.constant 24752 : i32
      %add3A_1379 = vector.broadcast %add3A_1378 : i32 to vector<16xi32>
      %add3A_1380 = arith.addi %add3A_1377, %add3A_1379 : vector<16xi32>
      %gather3A_1381 = tpu.vector_load_idx %arg6[%add3A_1380] : memref<27200xf32, #tpu.memory_space<vmem>>[vector<16xi32>], vector<16xf32>,
      %add3A_1382 = arith.addf %add3A_1323, %gather3A_1381 : vector<16xf32>
      %get3A_1383 = arith.constant 93 : i32
      %get3A_1384 = arith.index_cast %get3A_1383 : i32 to index
      %get3A_1385 = arith.index_cast %mul3A_16 : i32 to index
      %get3A_1386 = tpu.vector_load %arg5[%get3A_1384, %get3A_1385] {strides = array<i32>} : memref<100x512xi32, #tpu.memory_space<vmem>>, vector<16xi32>,
      %get3A_1387 = arith.constant 94 : i32
      %get3A_1388 = arith.index_cast %get3A_1387 : i32 to index
      %get3A_1389 = arith.index_cast %mul3A_16 : i32 to index
      %get3A_1390 = tpu.vector_load %arg5[%get3A_1388, %get3A_1389] {strides = array<i32>} : memref<100x512xi32, #tpu.memory_space<vmem>>, vector<16xi32>,
      %get3A_1391 = arith.constant 95 : i32
      %get3A_1392 = arith.index_cast %get3A_1391 : i32 to index
      %get3A_1393 = arith.index_cast %mul3A_16 : i32 to index
      %get3A_1394 = tpu.vector_load %arg5[%get3A_1392, %get3A_1393] {strides = array<i32>} : memref<100x512xi32, #tpu.memory_space<vmem>>, vector<16xi32>,
      %get3A_1395 = arith.constant 96 : i32
      %get3A_1396 = arith.index_cast %get3A_1395 : i32 to index
      %get3A_1397 = arith.index_cast %mul3A_16 : i32 to index
      %get3A_1398 = tpu.vector_load %arg5[%get3A_1396, %get3A_1397] {strides = array<i32>} : memref<100x512xi32, #tpu.memory_space<vmem>>, vector<16xi32>,
      %add3A_1399 = arith.addi %get3A_1386, %get3A_1390 : vector<16xi32>
      %add3A_1400 = arith.addi %add3A_1399, %get3A_1394 : vector<16xi32>
      %add3A_1401 = arith.addi %add3A_1400, %get3A_1398 : vector<16xi32>
      %add3A_1402 = arith.addi %add3A_1346, %get3A_1386 : vector<16xi32>
      %add3A_1403 = arith.addi %add3A_1346, %add3A_1399 : vector<16xi32>
      %add3A_1404 = arith.addi %add3A_1346, %add3A_1400 : vector<16xi32>
      %add3A_1405 = arith.addi %add3A_1346, %add3A_1401 : vector<16xi32>
      %mul3A_1406 = arith.constant 136 : i32
      %mul3A_1407 = vector.broadcast %mul3A_1406 : i32 to vector<16xi32>
      %mul3A_1408 = arith.muli %get3A_1386, %mul3A_1407 : vector<16xi32>
      %add3A_1409 = arith.addi %mul3A_1408, %add3A_1402 : vector<16xi32>
      %add3A_1410 = arith.constant 25024 : i32
      %add3A_1411 = vector.broadcast %add3A_1410 : i32 to vector<16xi32>
      %add3A_1412 = arith.addi %add3A_1409, %add3A_1411 : vector<16xi32>
      %gather3A_1413 = tpu.vector_load_idx %arg6[%add3A_1412] : memref<27200xf32, #tpu.memory_space<vmem>>[vector<16xi32>], vector<16xf32>,
      %add3A_1414 = arith.addf %add3A_1355, %gather3A_1413 : vector<16xf32>
      %mul3A_1415 = arith.constant 136 : i32
      %mul3A_1416 = vector.broadcast %mul3A_1415 : i32 to vector<16xi32>
      %mul3A_1417 = arith.muli %get3A_1390, %mul3A_1416 : vector<16xi32>
      %add3A_1418 = arith.addi %mul3A_1417, %add3A_1403 : vector<16xi32>
      %add3A_1419 = arith.constant 25296 : i32
      %add3A_1420 = vector.broadcast %add3A_1419 : i32 to vector<16xi32>
      %add3A_1421 = arith.addi %add3A_1418, %add3A_1420 : vector<16xi32>
      %gather3A_1422 = tpu.vector_load_idx %arg6[%add3A_1421] : memref<27200xf32, #tpu.memory_space<vmem>>[vector<16xi32>], vector<16xf32>,
      %add3A_1423 = arith.addf %add3A_1364, %gather3A_1422 : vector<16xf32>
      %mul3A_1424 = arith.constant 136 : i32
      %mul3A_1425 = vector.broadcast %mul3A_1424 : i32 to vector<16xi32>
      %mul3A_1426 = arith.muli %get3A_1394, %mul3A_1425 : vector<16xi32>
      %add3A_1427 = arith.addi %mul3A_1426, %add3A_1404 : vector<16xi32>
      %add3A_1428 = arith.constant 25568 : i32
      %add3A_1429 = vector.broadcast %add3A_1428 : i32 to vector<16xi32>
      %add3A_1430 = arith.addi %add3A_1427, %add3A_1429 : vector<16xi32>
      %gather3A_1431 = tpu.vector_load_idx %arg6[%add3A_1430] : memref<27200xf32, #tpu.memory_space<vmem>>[vector<16xi32>], vector<16xf32>,
      %add3A_1432 = arith.addf %add3A_1373, %gather3A_1431 : vector<16xf32>
      %mul3A_1433 = arith.constant 136 : i32
      %mul3A_1434 = vector.broadcast %mul3A_1433 : i32 to vector<16xi32>
      %mul3A_1435 = arith.muli %get3A_1398, %mul3A_1434 : vector<16xi32>
      %add3A_1436 = arith.addi %mul3A_1435, %add3A_1405 : vector<16xi32>
      %add3A_1437 = arith.constant 25840 : i32
      %add3A_1438 = vector.broadcast %add3A_1437 : i32 to vector<16xi32>
      %add3A_1439 = arith.addi %add3A_1436, %add3A_1438 : vector<16xi32>
      %gather3A_1440 = tpu.vector_load_idx %arg6[%add3A_1439] : memref<27200xf32, #tpu.memory_space<vmem>>[vector<16xi32>], vector<16xf32>,
      %add3A_1441 = arith.addf %add3A_1382, %gather3A_1440 : vector<16xf32>
      %get3A_1442 = arith.constant 97 : i32
      %get3A_1443 = arith.index_cast %get3A_1442 : i32 to index
      %get3A_1444 = arith.index_cast %mul3A_16 : i32 to index
      %get3A_1445 = tpu.vector_load %arg5[%get3A_1443, %get3A_1444] {strides = array<i32>} : memref<100x512xi32, #tpu.memory_space<vmem>>, vector<16xi32>,
      %get3A_1446 = arith.constant 98 : i32
      %get3A_1447 = arith.index_cast %get3A_1446 : i32 to index
      %get3A_1448 = arith.index_cast %mul3A_16 : i32 to index
      %get3A_1449 = tpu.vector_load %arg5[%get3A_1447, %get3A_1448] {strides = array<i32>} : memref<100x512xi32, #tpu.memory_space<vmem>>, vector<16xi32>,
      %get3A_1450 = arith.constant 99 : i32
      %get3A_1451 = arith.index_cast %get3A_1450 : i32 to index
      %get3A_1452 = arith.index_cast %mul3A_16 : i32 to index
      %get3A_1453 = tpu.vector_load %arg5[%get3A_1451, %get3A_1452] {strides = array<i32>} : memref<100x512xi32, #tpu.memory_space<vmem>>, vector<16xi32>,
      %add3A_1454 = arith.addi %get3A_1445, %get3A_1449 : vector<16xi32>
      %add3A_1455 = arith.addi %add3A_1454, %get3A_1453 : vector<16xi32>
      %add3A_1456 = arith.addi %add3A_1405, %get3A_1445 : vector<16xi32>
      %add3A_1457 = arith.addi %add3A_1405, %add3A_1454 : vector<16xi32>
      %add3A_1458 = arith.addi %add3A_1405, %add3A_1455 : vector<16xi32>
      %mul3A_1459 = arith.constant 136 : i32
      %mul3A_1460 = vector.broadcast %mul3A_1459 : i32 to vector<16xi32>
      %mul3A_1461 = arith.muli %get3A_1445, %mul3A_1460 : vector<16xi32>
      %add3A_1462 = arith.addi %mul3A_1461, %add3A_1456 : vector<16xi32>
      %add3A_1463 = arith.constant 26112 : i32
      %add3A_1464 = vector.broadcast %add3A_1463 : i32 to vector<16xi32>
      %add3A_1465 = arith.addi %add3A_1462, %add3A_1464 : vector<16xi32>
      %gather3A_1466 = tpu.vector_load_idx %arg6[%add3A_1465] : memref<27200xf32, #tpu.memory_space<vmem>>[vector<16xi32>], vector<16xf32>,
      %add3A_1467 = arith.addf %add3A_1414, %gather3A_1466 : vector<16xf32>
      %mul3A_1468 = arith.constant 136 : i32
      %mul3A_1469 = vector.broadcast %mul3A_1468 : i32 to vector<16xi32>
      %mul3A_1470 = arith.muli %get3A_1449, %mul3A_1469 : vector<16xi32>
      %add3A_1471 = arith.addi %mul3A_1470, %add3A_1457 : vector<16xi32>
      %add3A_1472 = arith.constant 26384 : i32
      %add3A_1473 = vector.broadcast %add3A_1472 : i32 to vector<16xi32>
      %add3A_1474 = arith.addi %add3A_1471, %add3A_1473 : vector<16xi32>
      %gather3A_1475 = tpu.vector_load_idx %arg6[%add3A_1474] : memref<27200xf32, #tpu.memory_space<vmem>>[vector<16xi32>], vector<16xf32>,
      %add3A_1476 = arith.addf %add3A_1423, %gather3A_1475 : vector<16xf32>
      %mul3A_1477 = arith.constant 136 : i32
      %mul3A_1478 = vector.broadcast %mul3A_1477 : i32 to vector<16xi32>
      %mul3A_1479 = arith.muli %get3A_1453, %mul3A_1478 : vector<16xi32>
      %add3A_1480 = arith.addi %mul3A_1479, %add3A_1458 : vector<16xi32>
      %add3A_1481 = arith.constant 26656 : i32
      %add3A_1482 = vector.broadcast %add3A_1481 : i32 to vector<16xi32>
      %add3A_1483 = arith.addi %add3A_1480, %add3A_1482 : vector<16xi32>
      %gather3A_1484 = tpu.vector_load_idx %arg6[%add3A_1483] : memref<27200xf32, #tpu.memory_space<vmem>>[vector<16xi32>], vector<16xf32>,
      %add3A_1485 = arith.addf %add3A_1432, %gather3A_1484 : vector<16xf32>
      %add3A_1486 = arith.addf %add3A_1467, %add3A_1476 : vector<16xf32>
      %add3A_1487 = arith.addf %add3A_1485, %add3A_1441 : vector<16xf32>
      %add3A_1488 = arith.addf %add3A_1486, %add3A_1487 : vector<16xf32>
      %add3A_1489 = arith.constant 26928 : i32
      %add3A_1490 = vector.broadcast %add3A_1489 : i32 to vector<16xi32>
      %add3A_1491 = arith.addi %add3A_1458, %add3A_1490 : vector<16xi32>
      %gather3A_1492 = tpu.vector_load_idx %arg6[%add3A_1491] : memref<27200xf32, #tpu.memory_space<vmem>>[vector<16xi32>], vector<16xf32>,
      %add3A_1493 = arith.addf %add3A_1488, %gather3A_1492 : vector<16xf32>
      %swap3A = arith.index_cast %mul3A_16 : i32 to index
      %swap3A_1494 = tpu.vector_load %arg7[%swap3A] {strides = array<i32>} : memref<512xf32, #tpu.memory_space<vmem>>, vector<16xf32>,
      tpu.vector_store %arg7[%swap3A], %add3A_1493 {strides = array<i32>} : memref<512xf32, #tpu.memory_space<vmem>>, vector<16xf32>,
    }
    %scan3A_13 = arith.constant 32 : i32
    "tpu.region"() ({
      %run_scoped3A = tpu.sem_alloc : memref<!tpu.dma_semaphore, #tpu.memory_space<semaphore_mem>>
      %dma_start3A_14 = tpu.memref_slice %arg4[%mul3A_2] : memref<16384xf32, #tpu.memory_space<hbm>> -> memref<512xf32, #tpu.memory_space<hbm>>
      %dma_start3A_15 = tpu.memref_slice %arg4[%mul3A_2] : memref<16384xf32, #tpu.memory_space<hbm>> -> memref<512xf32, #tpu.memory_space<hbm>>
      tpu.enqueue_dma source(%arg7 : memref<512xf32, #tpu.memory_space<vmem>>) target(%dma_start3A_15 : memref<512xf32, #tpu.memory_space<hbm>>) target_semaphore(%run_scoped3A : memref<!tpu.dma_semaphore, #tpu.memory_space<semaphore_mem>>)
      %dma_wait3A_16 = tpu.memref_slice %arg4[%mul3A_2] : memref<16384xf32, #tpu.memory_space<hbm>> -> memref<512xf32, #tpu.memory_space<hbm>>
      %dma_wait3A_17 = tpu.memref_slice %arg4[%mul3A_2] : memref<16384xf32, #tpu.memory_space<hbm>> -> memref<512xf32, #tpu.memory_space<hbm>>
      tpu.wait_dma2 semaphore(%run_scoped3A : memref<!tpu.dma_semaphore, #tpu.memory_space<semaphore_mem>>) src(%arg7 : memref<512xf32, #tpu.memory_space<vmem>>) dst(%dma_wait3A_17 : memref<512xf32, #tpu.memory_space<hbm>>)
      tpu.yield
    }) : () -> ()
    return
  }
}

module attributes {stable_mosaic.version = 14 : i64} {
  func.func @_table_kernel(%arg0: memref<99x100xf32, #tpu.memory_space<vmem>>, %arg1: memref<99x100xf32, #tpu.memory_space<vmem>>, %arg2: memref<1x101xf32, #tpu.memory_space<vmem>>, %arg3: memref<100x272xf32, #tpu.memory_space<vmem>>) attributes {dimension_semantics = [], scalar_prefetch = 0 : i64, scratch_operands = 0 : i64, tpu.core_type = #tpu.core_type<tc>} {
    %get3A = arith.constant 0 : index
    %get3A_0 = arith.constant 0 : index
    %get3A_1 = vector.load %arg0[%get3A, %get3A_0] : memref<99x100xf32, #tpu.memory_space<vmem>>, vector<99x100xf32>
    %get3A_2 = arith.constant 0 : index
    %get3A_3 = arith.constant 0 : index
    %get3A_4 = vector.load %arg1[%get3A_2, %get3A_3] : memref<99x100xf32, #tpu.memory_space<vmem>>, vector<99x100xf32>
    %get3A_5 = arith.constant 0 : index
    %get3A_6 = arith.constant 0 : index
    %get3A_7 = vector.load %arg2[%get3A_5, %get3A_6] : memref<1x101xf32, #tpu.memory_space<vmem>>, vector<1x101xf32>
    %max3A = arith.maximumf %get3A_1, %get3A_4 : vector<99x100xf32>
    %sub3A = arith.subf %get3A_1, %max3A : vector<99x100xf32>
    %exp3A = math.exp %sub3A : vector<99x100xf32>
    %sub3A_8 = arith.subf %get3A_4, %max3A : vector<99x100xf32>
    %exp3A_9 = math.exp %sub3A_8 : vector<99x100xf32>
    %add3A = arith.addf %exp3A, %exp3A_9 : vector<99x100xf32>
    %log3A = math.log %add3A : vector<99x100xf32>
    %add3A_10 = arith.addf %max3A, %log3A : vector<99x100xf32>
    %sub3A_11 = arith.subf %get3A_1, %add3A_10 : vector<99x100xf32>
    %sub3A_12 = arith.subf %get3A_4, %add3A_10 : vector<99x100xf32>
    %reduce_max3A = arith.constant dense<0xFF800000> : vector<1xf32>
    %reduce_max3A_13 = vector.multi_reduction <maximumf>, %get3A_7, %reduce_max3A [1] : vector<1x101xf32> to vector<1xf32>
    %broadcast_in_dim3A = vector.shape_cast %reduce_max3A_13 : vector<1xf32> to vector<1x1xf32>
    %sub3A_14 = vector.broadcast %broadcast_in_dim3A : vector<1x1xf32> to vector<1x101xf32>
    %sub3A_15 = arith.subf %get3A_7, %sub3A_14 : vector<1x101xf32>
    %exp3A_16 = math.exp %sub3A_15 : vector<1x101xf32>
    %reduce_sum3A = arith.constant dense<0.000000e+00> : vector<1xf32>
    %reduce_sum3A_17 = vector.multi_reduction <add>, %exp3A_16, %reduce_sum3A [1] : vector<1x101xf32> to vector<1xf32>
    %broadcast_in_dim3A_18 = vector.shape_cast %reduce_sum3A_17 : vector<1xf32> to vector<1x1xf32>
    %sub3A_19 = vector.broadcast %broadcast_in_dim3A : vector<1x1xf32> to vector<1x101xf32>
    %sub3A_20 = arith.subf %get3A_7, %sub3A_19 : vector<1x101xf32>
    %log3A_21 = math.log %broadcast_in_dim3A_18 : vector<1x1xf32>
    %sub3A_22 = vector.broadcast %log3A_21 : vector<1x1xf32> to vector<1x101xf32>
    %sub3A_23 = arith.subf %sub3A_20, %sub3A_22 : vector<1x101xf32>
    %iota3A = tpu.iota {dimensions = array<i32: 0>} : vector<99x100xi32>
    %iota3A_24 = tpu.iota {dimensions = array<i32: 1>} : vector<99x100xi32>
    %le3A = arith.cmpi sle, %iota3A_24, %iota3A : vector<99x100xi32>
    %broadcast_in_dim3A_25 = arith.constant 0.000000e+00 : f32
    %broadcast_in_dim3A_26 = vector.broadcast %broadcast_in_dim3A_25 : f32 to vector<100x272xf32>
    %swap3A = arith.constant 0 : index
    %swap3A_27 = arith.constant 0 : index
    %swap3A_28 = vector.load %arg3[%swap3A, %swap3A_27] : memref<100x272xf32, #tpu.memory_space<vmem>>, vector<100x272xf32>
    tpu.vector_store %arg3[%swap3A, %swap3A_27], %broadcast_in_dim3A_26 {strides = array<i32>} : memref<100x272xf32, #tpu.memory_space<vmem>>, vector<100x272xf32>,
    %jit3A = arith.constant 0.000000e+00 : f32
    %broadcast_in_dim3A_29 = vector.broadcast %jit3A : f32 to vector<99x100xf32>
    %select_n3A = arith.select %le3A, %sub3A_11, %broadcast_in_dim3A_29 : vector<99x100xi1>, vector<99x100xf32>
    %swap3A_30 = arith.constant 0 : index
    %swap3A_31 = arith.constant 1 : index
    %swap3A_32 = vector.load %arg3[%swap3A_30, %swap3A_31] : memref<100x272xf32, #tpu.memory_space<vmem>>, vector<99x100xf32>
    tpu.vector_store %arg3[%swap3A_30, %swap3A_31], %select_n3A {strides = array<i32>} : memref<100x272xf32, #tpu.memory_space<vmem>>, vector<99x100xf32>,
    %jit3A_33 = arith.constant 0.000000e+00 : f32
    %broadcast_in_dim3A_34 = vector.broadcast %jit3A_33 : f32 to vector<99x100xf32>
    %select_n3A_35 = arith.select %le3A, %sub3A_12, %broadcast_in_dim3A_34 : vector<99x100xi1>, vector<99x100xf32>
    %swap3A_36 = arith.constant 0 : index
    %swap3A_37 = arith.constant 137 : index
    %swap3A_38 = vector.load %arg3[%swap3A_36, %swap3A_37] : memref<100x272xf32, #tpu.memory_space<vmem>>, vector<99x100xf32>
    tpu.vector_store %arg3[%swap3A_36, %swap3A_37], %select_n3A_35 {strides = array<i32>} : memref<100x272xf32, #tpu.memory_space<vmem>>, vector<99x100xf32>,
    %swap3A_39 = arith.constant 99 : index
    %swap3A_40 = arith.constant 0 : index
    %swap3A_41 = vector.load %arg3[%swap3A_39, %swap3A_40] : memref<100x272xf32, #tpu.memory_space<vmem>>, vector<1x101xf32>
    tpu.vector_store %arg3[%swap3A_39, %swap3A_40], %sub3A_23 {strides = array<i32>} : memref<100x272xf32, #tpu.memory_space<vmem>>, vector<1x101xf32>,
    return
  }
}

</mosaic_0001>

<sc_bundles>
// kernel: kernel.4.cloned.1.call-start
scs
__scs_entry_jumppad:
0x0: {  	(pc) =	sbr.rel $0x88, $3  }
0x1: {  	(tag) =	ssettag $0x0;
	lr =	simm.s32 $0x1  }
0x2: {  	[smem:$0x3F9E] =	sst lr;
	_ =	strace $0xD0000000  }
0x3: {  	_ = 	snop  }
0x4: {  	_ = 	snop  }
0x5: {  	_ = 	snop  }
0x6: {  	_ = 	snop  }
0x7: {  	_ = 	snop  }
__scs_overlays_trampoline_lowered:
0x8: {  	[smem:$0x3FAD] =	sst s0  }
0x9: {  	[smem:$0x3FAE] =	sst s1  }
0xa: {  	[smem:$0x3FAF] =	sst s2  }
0xb: {  	[smem:$0x3FB0] =	sst s3  }
0xc: {  	[smem:$0x3FB1] =	sst s4  }
0xd: {  	[smem:$0x3FB2] =	sst s5  }
0xe: {  	[smem:$0x3FB3] =	sst s6  }
0xf: {  	[smem:$0x3FB4] =	sst s7  }
0x10: {  	[smem:$0x3FB5] =	sst s8  }
0x11: {  	[smem:$0x3FB6] =	sst s9;
	s0 =	simm.s32 @!p0 $0x0  }
0x12: {  	s1 =	sld [smem:$0x3F9C];
	s0 =	simm.s32 @p0 $0x1  }
0x13: {  	[smem:$0x3FB7] =	sst s0;
	s0 =	simm.s32 @!p1 $0x0  }
0x14: {  	s2 =	sld [smem:$0x3F9B];
	s0 =	simm.s32 @p1 $0x1  }
0x15: {  	[smem:$0x3FB8] =	sst s0;
	s0 =	simm.s32 @!p2 $0x0  }
0x16: {  	s3 =	sld [smem:$0x3FDB];
	s0 =	simm.s32 @p2 $0x1  }
0x17: {  	s4 =	simm.s32 $0x1BF5;
	[smem:$0x3FBA] =	sst s0  }
0x18: {  	s0 =	sld [smem:$0x3F9D];
	_ =	swait.ge [sflag:s4], $0x0  }
0x19: {  	s7 =	sld [smem:$0x3F9E]  }
0x1a: {  	s8 =	sadd.s32 $0xFFFFE003, lr  }
0x1b: {  	s9 =	sadd.s32 $0xFFFFFEF7, lr;
	s5 =	simm.s32 $0xFFFFFFFF;
	p2 =	slt.u32 s8, $0xFFFFF086  }
0x1c: {  	p1 =	slt.u32 s9, $0xF7A;
	s5 =	simm.s32 @!p2 $0x0  }
0x1d: {  	s5 =	simm.s32 @p1 $0x1;
	p0 =	seq.s32 s7, s2  }
0x1e: {  	s7 =	smul.u32 @!p0 $0xF7A, s2;
	p2 =	seq.s32 @!p0 s5, $0x0  }
0x1f: {  	s9 =	smul.u32 $0xF7A, s1;
	s8 =	simm.s32 @!p0 $0x1BF5;
	p2 =	por !p2, p0  }
0x20: {  	[sflag:s8] =	ssyncset.s32 @!p0 $0xFFFFF086;
	s6 =	sadd.s32 @!p0 s3, s7;
	s7 =	simm.s32 @!p0 $0x108  }
0x21: {  	s3 =	sadd.s32 s3, s9;
	s6 =	sadd.s32 @!p0 $0x88, s6;
	s7 =	simm.s32 @p2 $0x1082  }
0x22: {  	[simem:s7], [sflag:s8] =	dma.local @!p0 [hbm:s6], $0xF7A  }
0x23: {  	s9 =	sor.u32 $0xD0000000, s2;
	s6 =	simm.s32 $0x108;
	_ =	swait.ge @!p0 [sflag:s8], $0x0  }
0x24: {  	s3 =	sadd.s32 $0x88, s3;
	s6 =	simm.s32 @!p1 $0x1082;
	[sflag:s4] =	ssyncset.s32 $0xFFFFF086  }
0x25: {  	[simem:s6], [sflag:s4] =	dma.local [hbm:s3], $0xF7A  }
0x26: {  	[smem:$0x3F9E] =	sst s1;
	(tag) =	ssettag s2;
	_ =	strace s9  }
0x27: {  	s1 =	sld [smem:$0x3FAE]  }
0x28: {  	s2 =	sld [smem:$0x3FAF]  }
0x29: {  	s4 =	sld [smem:$0x3FB1]  }
0x2a: {  	p0 =	seq.s32 s5, $0x0;
	s5 =	sld [smem:$0x3FB2]  }
0x2b: {  	s6 =	sld [smem:$0x3FB3]  }
0x2c: {  	s7 =	sld [smem:$0x3FB4]  }
0x2d: {  	s3 =	simm.s32 $0x108;
	s8 =	sld [smem:$0x3FB5]  }
0x2e: {  	s3 =	simm.s32 @!p0 $0x1082;
	s9 =	sld [smem:$0x3FB6]  }
0x2f: {  	lr =	sadd.s32 s0, s3;
	s0 =	sld [smem:$0x3FAD]  }
0x30: {  	s3 =	sld [smem:$0x3FB0]  }
0x31: {  	[smem:$0x3FB9] =	sst s10  }
0x32: {  	s10 =	sld [smem:$0x3FB7];
	_ =	sdelay $0x3  }
0x33: {  	p0 =	seq.s32 s10, $0x1;
	s10 =	sld [smem:$0x3FB9];
	_ =	sdelay $0x3  }
0x34: {  	[smem:$0x3FB9] =	sst s10  }
0x35: {  	s10 =	sld [smem:$0x3FB8];
	_ =	sdelay $0x3  }
0x36: {  	p1 =	seq.s32 s10, $0x1;
	s10 =	sld [smem:$0x3FB9];
	_ =	sdelay $0x3  }
0x37: {  	[smem:$0x3FB9] =	sst s10  }
0x38: {  	s10 =	sld [smem:$0x3FBA]  }
0x39: {  	_ = 	snop;
	(pc) =	sbr.ind lr, $3  }
0x3a: {  	_ = 	snop  }
0x3b: {  	_ = 	snop  }
0x3c: {  	p2 =	seq.s32 s10, $0x1;
	s10 =	sld [smem:$0x3FB9]  }
0x3d: {  	_ =	shalt  }
0x3e: {  	_ =	shalt  }
0x3f: {  	_ =	shalt  }
0x40: {  	_ =	shalt  }
0x41: {  	_ =	shalt  }
0x42: {  	_ =	shalt  }
0x43: {  	_ =	shalt  }
0x44: {  	_ =	shalt  }
0x45: {  	_ =	shalt  }
0x46: {  	_ =	shalt  }
0x47: {  	_ =	shalt  }
0x48: {  	_ =	shalt  }
0x49: {  	_ =	shalt  }
0x4a: {  	_ =	shalt  }
0x4b: {  	_ =	shalt  }
0x4c: {  	_ =	shalt  }
0x4d: {  	_ =	shalt  }
0x4e: {  	_ =	shalt  }
0x4f: {  	_ =	shalt  }
0x50: {  	_ =	shalt  }
0x51: {  	_ =	shalt  }
0x52: {  	_ =	shalt  }
0x53: {  	_ =	shalt  }
0x54: {  	_ =	shalt  }
0x55: {  	_ =	shalt  }
0x56: {  	_ =	shalt  }
0x57: {  	_ =	shalt  }
0x58: {  	_ =	shalt  }
0x59: {  	_ =	shalt  }
0x5a: {  	_ =	shalt  }
0x5b: {  	_ =	shalt  }
0x5c: {  	_ =	shalt  }
0x5d: {  	_ =	shalt  }
0x5e: {  	_ =	shalt  }
0x5f: {  	_ =	shalt  }
0x60: {  	_ =	shalt  }
0x61: {  	_ =	shalt  }
0x62: {  	_ =	shalt  }
0x63: {  	_ =	shalt  }
0x64: {  	_ =	shalt  }
0x65: {  	_ =	shalt  }
0x66: {  	_ =	shalt  }
0x67: {  	_ =	shalt  }
0x68: {  	_ =	shalt  }
0x69: {  	_ =	shalt  }
0x6a: {  	_ =	shalt  }
0x6b: {  	_ =	shalt  }
0x6c: {  	_ =	shalt  }
0x6d: {  	_ =	shalt  }
0x6e: {  	_ =	shalt  }
0x6f: {  	_ =	shalt  }
0x70: {  	_ =	shalt  }
0x71: {  	_ =	shalt  }
0x72: {  	_ =	shalt  }
0x73: {  	_ =	shalt  }
0x74: {  	_ =	shalt  }
0x75: {  	_ =	shalt  }
0x76: {  	_ =	shalt  }
0x77: {  	_ =	shalt  }
0x78: {  	_ =	shalt  }
0x79: {  	_ =	shalt  }
0x7a: {  	_ =	shalt  }
0x7b: {  	_ =	shalt  }
0x7c: {  	_ =	shalt  }
0x7d: {  	_ =	shalt  }
0x7e: {  	_ =	shalt  }
0x7f: {  	_ =	shalt  }
0x80: {  	_ =	shalt  }
0x81: {  	_ =	shalt  }
0x82: {  	_ =	shalt  }
0x83: {  	_ =	shalt  }
0x84: {  	_ =	shalt  }
0x85: {  	_ =	shalt  }
0x86: {  	_ =	shalt  }
0x87: {  	_ =	shalt  }
.Lfunc_end0:
.L_simem_size_0:
called_computation_lowered:
.L_overlay_start_0:
0x88: {  	s2 =	sld [smem:$0x3FD9]  }
0x89: {  	s3 =	sld [smem:$0x3FFE];
	_ =	sdelay $0x1  }
0x8a: {  	s1 =	srdreg.scid  }
0x8b: {  	s0 =	sand.u32 $0x1, s1  }
0x8c: {  	s17 =	sshll.u32 s0, $0xA;
	s2 =	sadd.s32 s3, s2  }
0x8d: {  	s2 =	sadd.s32 s2, s17  }
0x8e: {  	[smem:$0x3FC5] =	sst s2  }
0x8f: {  	_ = 	snop  }
0x90: {  	s2 =	sld [smem:$0x3FC9]  }
0x91: {  	s18 =	sld [smem:$0x3FD0];
	(tm) =	ssettm $0x1  }
0x92: {  	s4 =	sld [smem:$0x3FFB];
	_ =	sdelay $0x3  }
0x93: {  	_ =	strace s4  }
0x94: {  	s4 =	sld [smem:$0x3FFC];
	_ =	sdelay $0x3  }
0x95: {  	_ =	strace s4  }
0x96: {  	s4 =	sld [smem:$0x3FFD];
	_ =	sdelay $0x3  }
0x97: {  	_ =	strace s4  }
0x98: {  	_ =	strace $0x8FFFFFFF  }
0x99: {  	s19 =	sld [smem:$0x3FDB];
	_ =	sdelay $0x1  }
0x9a: {  	s5 =	simm.s32 $_scs_section_size  }
0x9b: {  	s6 =	simm.s32 $_size__tile_overlayer_lowered;
	s7 =	simm.s32 $_tile_overlayer_lowered  }
0x9c: {  	s22 =	simm.s32 $0x1BFF;
	s21 =	sshll.u32 s7, $0x1;
	s4 =	sadd.s32 s5, s19  }
0x9d: {  	s8 =	simm.s32 $0x0;
	s20 =	sshll.u32 s6, $0x1;
	s6 =	sadd.s32 s21, s4  }
0x9e: {  	[timem:s8], [sflag:s22] =	dma.local [hbm:s6], s20  }
0x9f: {  	_ =	swait.ge [sflag:s22], s20  }
0xa0: {  	s5 =	ssub.s32 $0x0, s20;
	[sflag:s22] =	ssyncset.done $0x0  }
0xa1: {  	[sflag:s22] =	ssyncadd.s32 s5;
	_ =	sdelay $0x1  }
0xa2: {  	s23 =	simm.s32 $0x1B8B  }
0xa3: {  	_ =	swait.ge [sflag:s23], $0x1  }
0xa4: {  	[sflag:s23] =	ssyncset.done $0x0  }
0xa5: {  	s25 =	simm.s32 $0x1B8E;
	s24 =	sld [smem:$0x3FFE];
	[sflag:s23] =	ssyncadd.s32 $0xFFFFFFFF  }
0xa6: {  	s26 =	simm.s32 $execute0_lowered;
	[smem:$0x3FD2] =	sst s25  }
0xa7: {  	s6 =	sshll.u32 s26, $0x1;
	_ =	strace $0x80000046;
	[dreg:$0x1] =	wrdreg $0xFFFFFFFF  }
0xa8: {  	s28 =	simm.s32 $_size_execute0_lowered;
	s4 =	sadd.s32 s4, s6;
	[dreg:$0x0] =	wrdreg $0x0  }
0xa9: {  	s6 =	sshll.u32 s28, $0x1;
	[dreg:$0x2] =	wrdreg s4  }
0xaa: {  	[dreg:$0x3] =	wrdreg s6  }
0xab: {  	[dreg:$0x4] =	wrdreg $0xC0  }
0xac: {  	_ =	task [dreg:s8], $0x5FFFF  }
0xad: {  	[dreg:$0x1] =	wrdreg $0xFFFFFFFF  }
0xae: {  	[dreg:$0x0] =	wrdreg $0x60  }
0xaf: {  	[dreg:$0x2] =	wrdreg s2  }
0xb0: {  	[dreg:$0x3] =	wrdreg s24  }
0xb1: {  	[dreg:$0x4] =	wrdreg s18  }
0xb2: {  	[dreg:$0x5] =	wrdreg $0x9  }
0xb3: {  	_ =	task.clear_ibuf [dreg:s8], $0x6FFFF;
	_ =	strace $0x90000046  }
0xb4: {  	s29 =	simm.s32 $0x9;
	_ =	strace $0x80000048  }
0xb5: {  	_ =	swait.ge [sflag:s29], $0x1  }
0xb6: {  	[sflag:s29] =	ssyncadd.s32 $0xFFFFFFFF  }
0xb7: {  	_ =	strace $0x90000048  }
0xb8: {  	_ =	sfence  }
0xb9: {  	s30 =	sld [smem:$0x0];
	_ =	sdelay $0x2  }
0xba: {  	s31 =	sshll.u32 s1, $0xD;
	s1 =	sshrl.u32 s1, $0x2  }
0xbb: {  	s3 =	sand.u32 $0x4000, s31;
	s1 =	sadd.s32 s1, s30  }
0xbc: {  	s0 =	sor.u32 s3, s0;
	s1 =	sshll.u32 s1, $0x11  }
0xbd: {  	s0 =	sor.u32 s1, s0  }
0xbe: {  	s0 =	sadd.s32 $0x8F2B, s0  }
0xbf: {  	[sflag:s0] =	ssyncadd.remote.s32 $0x1  }
0xc0: {  	_ =	sfence.sel $0xFFFF  }
0xc1: {  	[dreg:$0x0] =	wrdreg $0xFFFFFFFF;
	(pc) =	sbr.abs _section_cstart, $3  }
0xc2: {  	[dreg:$0x1] =	wrdreg $0xFFFFFFFF  }
0xc3: {  	_ =	task.clear_ibuf [dreg:s8], $0x2FFFF;
	_ =	strace $0x9FFFFFFF  }
0xc4: {  	(tm) =	ssettm $0x7FFFFFFF  }
0xc5: {  	_ =	shalt  }
tec
execute0_lowered:
.L_overlay_start_1:
0x0: {  	(tag) =	ssettag $0x1  }
0x1: {  	s4 =	rddreg [dreg:$0x0]  }
0x2: {  	s3 =	rddreg [dreg:$0x1]  }
0x3: {  	s5 =	rddreg [dreg:$0x2]  }
0x4: {  	s0 =	rddreg [dreg:$0x3];
	s6 =	srdreg.scid  }
0x5: {  	s2 =	simm.s32 $0x0;
	s1 =	stileid.u32;
	s10 =	simm.s32 $0x1  }
0x6: {  	s11 =	simm.s32 $0x2;
	s12 =	simm.s32 $0x13A80;
	s13 =	simm.s32 $0x3  }
0x7: {  	s14 =	simm.s32 $0x0;
	s6 =	sand.u32 $0x1, s6;
	[smem:$0x7FF] =	sst s2  }
0x8: {  	s7 =	sshll.u32 s1, $0xA;
	s3 =	sadd.s32 $0xA00, s3;
	s8 =	sshll.u32 s6, $0x9  }
0x9: {  	_ =	strace $0x80000047;
	s6 =	ssub.s32 $0x2, s6;
	s7 =	sor.u32 s8, s7  }
0xa: {  	s31 =	sshrl.u32 s6, $0x1;
	s8 =	simm.s32 $0x20000;
	s9 =	sshrl.u32 s7, $0x3  }
0xb: {  	s6 =	ssub.s32 s6, s31;
	s4 =	sadd.s32 s4, s7;
	s7 =	simm.s32 $0x1000  }
0xc: {  	s5 =	sadd.s32 s5, s9;
	s6 =	smax.u32 s6, $0x1;
	s9 =	simm.s32 $0xD000  }
.LBB2_1:
0xd: {  	[tilespmem:s2], [sflag:$0x1] =	stream.strided.gather [hbm4b:s4+s7], $0xD000, s8, s7, $0x38;
	[tilespmem:$0x13C80] =	vst v63  }
0xe: {  	_ = 	snop  }
0xf: {  	[tilespmem:s9], [sflag:$0x2] =	stream.linear.gather [hbm4b:s3+s2], $0x6A80, $0x38;
	[tilespmem:$0x13C80] =	vst v63  }
0x10: {  	_ =	swait.ge [sflag:s10], $0xD000  }
0x11: {  	[sflag:s10] =	ssyncset.done $0x0  }
0x12: {  	[sflag:s10] =	ssyncadd.s32 $0xFFFF3000  }
0x13: {  	_ =	swait.ge [sflag:s11], $0x6A80  }
0x14: {  	s15 =	simm.s32 $0x13A80;
	[sflag:s11] =	ssyncset.done $0x0  }
0x15: {  	s16 =	simm.s32 $0x0;
	s17 =	simm.s32 $0x0;
	[sflag:s11] =	ssyncadd.s32 $0xFFFF9580  }
.LBB2_2:
0x16: {  	s18 =	sand.u32 $0x70, s17;
	s19 =	sand.u32 $0xC00, s16  }
0x17: {  	s18 =	sor.u32 s18, s19  }
0x18: {  	v0 =	vld [tilespmem:s18+$0x0]  }
0x19: {  	v1 =	vld [tilespmem:s18+$0x80]  }
0x1a: {  	v2 =	vld [tilespmem:s18+$0x100]  }
0x1b: {  	v3 =	vld [tilespmem:s18+$0x180]  }
0x1c: {  	v4 =	vld [tilespmem:s18+$0x200]  }
0x1d: {  	v8 =	vld [tilespmem:s18+$0x280]  }
0x1e: {  	v9 =	vld [tilespmem:s18+$0x300]  }
0x1f: {  	v16 =	vld [tilespmem:s18+$0x380]  }
0x20: {  	v12 =	vld [tilespmem:s18+$0x1000]  }
0x21: {  	v23 =	vld [tilespmem:s18+$0x1080]  }
0x22: {  	v25 =	vld [tilespmem:s18+$0x1100]  }
0x23: {  	v28 =	vld [tilespmem:s18+$0x1180]  }
0x24: {  	v31 =	vld [tilespmem:s18+$0x1200]  }
0x25: {  	v33 =	vld [tilespmem:s18+$0x1280]  }
0x26: {  	v34 =	vld [tilespmem:s18+$0x1300]  }
0x27: {  	v40 =	vld [tilespmem:s18+$0x2200];
	v5 =	vadd.s32 v1, v2;
	v6 =	vmul.u32 $0x88, v1;
	v1 =	vadd.s32 v0, v1  }
0x28: {  	v43 =	vld [tilespmem:s18+$0x2280];
	v2 =	vmul.u32 $0x88, v2;
	v15 =	vmul.u32 $0x88, v4;
	v19 =	vadd.s32 v8, v9  }
0x29: {  	v46 =	vld [tilespmem:s18+$0x2300];
	v7 =	vadd.s32 v3, v5;
	v5 =	vadd.s32 v5, v0;
	v1 =	vadd.s32 v6, v1  }
0x2a: {  	v51 =	vld [tilespmem:s18+$0x3000];
	v3 =	vmul.u32 $0x88, v3;
	v0 =	vadd.s32 v0, v7;
	v2 =	vadd.s32 v2, v5  }
0x2b: {  	v61 =	vld [tilespmem:s18+$0x3180];
	v21 =	vmul.u32 $0x88, v16;
	v4 =	vadd.s32 v4, v0;
	v2 =	vadd.s32 $0x110, v2  }
0x2c: {  	v13 =	vadd.s32 v16, v19;
	v16 =	vld [tilespmem:s18+$0x1380];
	v0 =	vadd.s32 v3, v0;
	v17 =	vadd.s32 v4, v15  }
0x2d: {  	v18 =	vmul.u32 $0x88, v8;
	v0 =	vadd.s32 $0x220, v0;
	v3 =	vadd.s32 $0x330, v17;
	v17 =	vld [tilespmem:s18+$0x2000]  }
0x2e: {  	v10 =	vmul.u32 $0x88, v9;
	v26 =	vmul.u32 $0x88, v12;
	v29 =	vmul.u32 $0x88, v23;
	v6 =	vld.idx.msk [tilespmem:v1+s9+$0x0], $0xffff  }
0x2f: {  	v30 =	vadd.s32 v23, v25;
	v8 =	vadd.s32 v8, v4;
	v1 =	vadd.s32 v19, v4;
	v19 =	vld [tilespmem:s18+$0x2080]  }
0x30: {  	v7 =	vadd.s32 v28, v30;
	v5 =	vadd.s32 v18, v8;
	v4 =	vadd.s32 v4, v13;
	v9 =	vld.idx.msk [tilespmem:v2+s9+$0x0], $0xffff  }
0x31: {  	v8 =	vmul.u32 $0x88, v25;
	v1 =	vadd.s32 v10, v1;
	v22 =	vadd.s32 v21, v4;
	v21 =	vld [tilespmem:s18+$0x2100]  }
0x32: {  	v20 =	vadd.s32 $0x440, v5;
	v4 =	vadd.s32 v12, v4;
	v11 =	vld.idx.msk [tilespmem:v0+s9+$0x0], $0xffff;
	v1 =	vadd.s32 $0x550, v1  }
0x33: {  	v24 =	vadd.s32 $0x660, v22;
	v27 =	vadd.s32 v4, v26;
	v5 =	vadd.s32 v4, v23;
	v0 =	vld.idx.msk [tilespmem:v3+s9+$0x0], $0xffff  }
0x34: {  	v32 =	vadd.s32 v30, v4;
	v4 =	vadd.s32 v4, v7;
	v3 =	vadd.s32 v29, v5;
	v29 =	vld [tilespmem:s18+$0x3080]  }
0x35: {  	v18 =	vmul.u32 $0x88, v31;
	v10 =	vadd.s32 v31, v4;
	v31 =	vld [tilespmem:s18+$0x3100]  }
0x36: {  	v35 =	vadd.s32 v33, v34;
	v2 =	vmul.u32 $0x88, v28;
	v5 =	vadd.s32 v8, v32;
	v32 =	vld [tilespmem:s18+$0x3300]  }
0x37: {  	v36 =	vadd.s32 v16, v35;
	v12 =	vld.idx.msk [tilespmem:v20+s9+$0x0], $0xffff  }
0x38: {  	v7 =	vadd.s32 v2, v4;
	v39 =	vmul.u32 $0x88, v17;
	v3 =	vadd.s32 $0x880, v3;
	v14 =	vld.idx.msk [tilespmem:v1+s9+$0x0], $0xffff  }
0x39: {  	v5 =	vadd.s32 $0x990, v5;
	v4 =	vadd.s32 v10, v18;
	v18 =	vadd.s32 v10, v36;
	v15 =	vld.idx.msk [tilespmem:v24+s9+$0x0], $0xffff  }
0x3a: {  	v7 =	vadd.s32 $0xAA0, v7;
	v22 =	vadd.s32 v17, v18;
	v24 =	vld [tilespmem:s18+$0x2180]  }
0x3b: {  	v38 =	vmul.u32 $0x88, v16;
	v44 =	vadd.s32 v22, v39;
	v1 =	vadd.s32 $0x770, v27;
	v27 =	vld [tilespmem:s18+$0x2380]  }
0x3c: {  	v13 =	vmul.u32 $0x88, v34;
	v25 =	vadd.s32 $0xFF0, v44;
	v44 =	vld [tilespmem:s18+$0x3280]  }
0x3d: {  	v23 =	vmul.u32 $0x88, v33;
	v20 =	vadd.s32 $0xBB0, v4;
	v42 =	vadd.s32 v38, v18;
	v2 =	vld.idx.msk [tilespmem:v3+s9+$0x0], $0xffff  }
0x3e: {  	v37 =	vadd.s32 v33, v10;
	v26 =	vmul.u32 $0x88, v19;
	v18 =	vadd.s32 $0xEE0, v42;
	v3 =	vld.idx.msk [tilespmem:v5+s9+$0x0], $0xffff  }
0x3f: {  	v45 =	vadd.s32 v19, v21;
	v19 =	vadd.s32 v22, v19;
	v49 =	vmul.u32 $0x88, v21;
	v4 =	vld.idx.msk [tilespmem:v7+s9+$0x0], $0xffff  }
0x40: {  	v19 =	vadd.s32 v26, v19;
	v8 =	vadd.s32 v45, v22;
	v5 =	vadd.s32 v35, v10;
	v35 =	vld [tilespmem:s18+$0x3200]  }
0x41: {  	v52 =	vadd.s32 $0x1100, v19;
	v10 =	vadd.s32 v49, v8;
	v49 =	vld [tilespmem:s18+$0x4080];
	v5 =	vadd.s32 v13, v5  }
0x42: {  	v7 =	vadd.s32 v23, v37;
	v41 =	vadd.s32 $0xDD0, v5;
	v5 =	vld.idx.msk [tilespmem:v20+s9+$0x0], $0xffff  }
0x43: {  	v7 =	vadd.s32 $0xCC0, v7;
	v53 =	vadd.s32 $0x1210, v10;
	v10 =	vld.idx.msk [tilespmem:v18+s9+$0x0], $0xffff  }
0x44: {  	v54 =	vadd.s32 v43, v46;
	v1 =	vld.idx.msk [tilespmem:v1+s9+$0x0], $0xffff  }
0x45: {  	v57 =	vmul.u32 $0x88, v43;
	v6 =	vadd.f32 $0.0e+00, v6;
	v47 =	vadd.s32 v24, v45;
	v45 =	vld [tilespmem:s18+$0x4000]  }
0x46: {  	v9 =	vadd.f32 $0.0e+00, v9;
	v11 =	vadd.f32 $0.0e+00, v11;
	v63 =	vadd.s32 v29, v31;
	v16 =	vld.idx.msk [tilespmem:v52+s9+$0x0], $0xffff  }
0x47: {  	v62 =	vmul.u32 $0x88, v29;
	v23 =	vmul.u32 $0x88, v46;
	v39 =	vadd.s32 v61, v63;
	v52 =	vld [tilespmem:s18+$0x4100]  }
0x48: {  	v13 =	vmul.u32 $0x88, v40;
	v24 =	vmul.u32 $0x88, v24;
	v48 =	vadd.s32 v22, v47;
	v7 =	vld.idx.msk [tilespmem:v7+s9+$0x0], $0xffff  }
0x49: {  	v56 =	vadd.s32 v27, v54;
	v58 =	vmul.u32 $0x88, v27;
	v50 =	vadd.s32 v40, v48;
	v18 =	vld.idx.msk [tilespmem:v53+s9+$0x0], $0xffff  }
0x4a: {  	v22 =	vmul.u32 $0x88, v51;
	v55 =	vadd.s32 v24, v48;
	v21 =	vadd.s32 v54, v50;
	v54 =	vld [tilespmem:s18+$0x4180]  }
0x4b: {  	v42 =	vmul.u32 $0x88, v35;
	v13 =	vadd.s32 v50, v13;
	v20 =	vadd.s32 v50, v56;
	v56 =	vld [tilespmem:s18+$0x4200]  }
0x4c: {  	v24 =	vadd.s32 $0x1320, v55;
	v17 =	vadd.s32 v43, v50;
	v8 =	vld.idx.msk [tilespmem:v41+s9+$0x0], $0xffff;
	v28 =	vadd.s32 $0x1430, v13  }
0x4d: {  	v30 =	vadd.s32 v51, v20;
	v13 =	vld.idx.msk [tilespmem:v25+s9+$0x0], $0xffff;
	v17 =	vadd.s32 v57, v17;
	v21 =	vadd.s32 v23, v21  }
0x4e: {  	v20 =	vadd.s32 v58, v20;
	v57 =	vld [tilespmem:s18+$0x4280];
	v17 =	vadd.s32 $0x1540, v17;
	v59 =	vadd.s32 $0x1650, v21  }
0x4f: {  	v33 =	vadd.s32 v30, v29;
	v36 =	vadd.s32 v63, v30;
	v19 =	vadd.s32 v30, v39;
	v63 =	vld [tilespmem:s18+$0x5000]  }
0x50: {  	v22 =	vadd.s32 v30, v22;
	v26 =	vadd.s32 v62, v33;
	v30 =	vadd.s32 v35, v19;
	v33 =	vld [tilespmem:s18+$0x3380]  }
0x51: {  	v34 =	vmul.u32 $0x88, v31;
	v60 =	vadd.s32 $0x1760, v20;
	v43 =	vadd.s32 v30, v42;
	v42 =	vld [tilespmem:s18+$0x5080]  }
0x52: {  	v46 =	vmul.u32 $0x88, v44;
	v47 =	vadd.s32 v44, v32;
	v40 =	vmul.u32 $0x88, v61;
	v20 =	vld.idx.msk [tilespmem:v24+s9+$0x0], $0xffff  }
0x53: {  	v51 =	vmul.u32 $0x88, v32;
	v22 =	vadd.s32 $0x1870, v22;
	v37 =	vadd.s32 v34, v36;
	v25 =	vld.idx.msk [tilespmem:v28+s9+$0x0], $0xffff  }
0x54: {  	v58 =	vmul.u32 $0x88, v49;
	v55 =	vmul.u32 $0x88, v45;
	v38 =	vadd.s32 $0x1A90, v37;
	v27 =	vld.idx.msk [tilespmem:v17+s9+$0x0], $0xffff  }
0x55: {  	v41 =	vadd.s32 v40, v19;
	v34 =	vadd.f32 v12, v6;
	v48 =	vadd.s32 v44, v30;
	v28 =	vld.idx.msk [tilespmem:v59+s9+$0x0], $0xffff  }
0x56: {  	v35 =	vadd.f32 v14, v9;
	v26 =	vadd.s32 $0x1980, v26;
	v6 =	vadd.s32 v46, v48;
	v29 =	vld.idx.msk [tilespmem:v60+s9+$0x0], $0xffff  }
0x57: {  	v36 =	vadd.f32 v15, v11;
	v9 =	vadd.s32 v47, v30;
	v6 =	vadd.s32 $0x1DC0, v6;
	v59 =	vld [tilespmem:s18+$0x4300]  }
0x58: {  	v15 =	vmul.u32 $0x88, v52;
	v9 =	vadd.s32 v51, v9;
	v23 =	vld.idx.msk [tilespmem:v22+s9+$0x0], $0xffff;
	v22 =	vadd.s32 $0x1BA0, v41  }
0x59: {  	v48 =	vmul.u32 $0x88, v54;
	v34 =	vadd.f32 v2, v34;
	v9 =	vadd.s32 $0x1ED0, v9;
	v19 =	vld.idx.msk [tilespmem:v38+s9+$0x0], $0xffff  }
0x5a: {  	v44 =	vmul.u32 $0x88, v57;
	v17 =	vadd.s32 $0x1CB0, v43;
	v60 =	vadd.s32 v49, v52;
	v38 =	vld [tilespmem:s18+$0x4380]  }
0x5b: {  	v7 =	vadd.f32 v7, v34;
	v50 =	vadd.s32 v33, v47;
	v53 =	vmul.u32 $0x88, v33;
	v21 =	vld.idx.msk [tilespmem:v26+s9+$0x0], $0xffff  }
0x5c: {  	v39 =	vadd.s32 v54, v60;
	v14 =	vadd.s32 v30, v50;
	v6 =	vld.idx.msk [tilespmem:v6+s9+$0x0], $0xffff;
	v41 =	vadd.s32 v57, v59  }
0x5d: {  	v33 =	vmul.u32 $0x88, v59;
	v24 =	vld.idx.msk [tilespmem:v22+s9+$0x0], $0xffff;
	v22 =	vadd.s32 v45, v14;
	v14 =	vadd.s32 v53, v14  }
0x5e: {  	v9 =	vld.idx.msk [tilespmem:v9+s9+$0x0], $0xffff;
	v14 =	vadd.s32 $0x1FE0, v14;
	v11 =	vadd.s32 v22, v55;
	v12 =	vadd.s32 v22, v49  }
0x5f: {  	v45 =	vld [tilespmem:s18+$0x5100];
	v61 =	vadd.s32 v22, v39;
	v49 =	vmul.u32 $0x88, v56;
	v52 =	vadd.s32 v38, v41  }
0x60: {  	v26 =	vld.idx.msk [tilespmem:v17+s9+$0x0], $0xffff;
	v37 =	vadd.s32 $0x20F0, v11;
	v12 =	vadd.s32 v58, v12;
	v11 =	vadd.s32 v60, v22  }
0x61: {  	v55 =	vld [tilespmem:s18+$0x5180];
	v30 =	vadd.s32 v56, v61;
	v50 =	vadd.s32 v48, v61;
	v56 =	vmul.u32 $0x88, v42  }
0x62: {  	v62 =	vadd.s32 $0x2200, v12;
	v31 =	vadd.s32 v30, v52;
	v17 =	vadd.s32 v57, v30;
	v57 =	vld [tilespmem:s18+$0x5200]  }
0x63: {  	v51 =	vadd.s32 v30, v49;
	v30 =	vadd.s32 v41, v30;
	v41 =	vld [tilespmem:s18+$0x5280];
	v43 =	vadd.s32 v63, v31  }
0x64: {  	v47 =	vadd.s32 v15, v11;
	v58 =	vadd.s32 v42, v45;
	v59 =	vadd.s32 v43, v42;
	v42 =	vld [tilespmem:s18+$0x6180]  }
0x65: {  	v32 =	vadd.s32 $0x2420, v50;
	v60 =	vmul.u32 $0x88, v45;
	v45 =	vadd.f32 $0.0e+00, v0;
	v11 =	vld.idx.msk [tilespmem:v14+s9+$0x0], $0xffff  }
0x66: {  	v7 =	vadd.f32 v16, v7;
	v38 =	vmul.u32 $0x88, v38;
	v12 =	vld.idx.msk [tilespmem:v37+s9+$0x0], $0xffff  }
0x67: {  	v40 =	vadd.s32 $0x2310, v47;
	v47 =	vadd.s32 v55, v58;
	v48 =	vadd.f32 v1, v45;
	v45 =	vld [tilespmem:s18+$0x6200]  }
0x68: {  	v22 =	vmul.u32 $0x88, v63;
	v30 =	vadd.s32 v33, v30;
	v33 =	vadd.s32 v43, v47;
	v47 =	vld [tilespmem:s18+$0x6280]  }
0x69: {  	v17 =	vadd.s32 v44, v17;
	v31 =	vadd.s32 v38, v31;
	v38 =	vmul.u32 $0x88, v55;
	v14 =	vld.idx.msk [tilespmem:v62+s9+$0x0], $0xffff  }
0x6a: {  	v53 =	vadd.s32 $0x2530, v51;
	v54 =	vadd.s32 $0x2640, v17;
	v63 =	vadd.s32 v58, v43;
	v17 =	vld.idx.msk [tilespmem:v32+s9+$0x0], $0xffff  }
0x6b: {  	v50 =	vadd.s32 v38, v33;
	v51 =	vmul.u32 $0x88, v57;
	v33 =	vadd.s32 v57, v33;
	v57 =	vld [tilespmem:s18+$0x5300]  }
0x6c: {  	v32 =	vadd.s32 v60, v63;
	v60 =	vld [tilespmem:s18+$0x5380]  }
0x6d: {  	v7 =	vadd.f32 v27, v7;
	v38 =	vld [tilespmem:s18+$0x6080]  }
0x6e: {  	v49 =	vadd.f32 v3, v35;
	v30 =	vadd.s32 $0x2750, v30;
	v15 =	vld.idx.msk [tilespmem:v40+s9+$0x0], $0xffff  }
0x6f: {  	v21 =	vadd.f32 v21, v7;
	v31 =	vadd.s32 $0x2860, v31;
	v62 =	vadd.s32 v56, v59;
	v0 =	vld.idx.msk [tilespmem:v53+s9+$0x0], $0xffff  }
0x70: {  	v22 =	vadd.s32 v43, v22;
	v8 =	vadd.f32 v8, v49;
	v46 =	vadd.s32 $0x2A80, v62;
	v62 =	vld [tilespmem:s18+$0x6000]  }
0x71: {  	v36 =	vadd.f32 v4, v36;
	v61 =	vadd.s32 $0x2970, v22;
	v40 =	vld [tilespmem:s18+$0x6100]  }
0x72: {  	v6 =	vadd.f32 v6, v21;
	v8 =	vadd.f32 v18, v8;
	v22 =	vld.idx.msk [tilespmem:v54+s9+$0x0], $0xffff  }
0x73: {  	v52 =	vmul.u32 $0x88, v41;
	v59 =	vadd.f32 v10, v36;
	v32 =	vadd.s32 $0x2B90, v32;
	v1 =	vld.idx.msk [tilespmem:v30+s9+$0x0], $0xffff  }
0x74: {  	v53 =	vadd.s32 v41, v33;
	v8 =	vadd.f32 v28, v8;
	v2 =	vld.idx.msk [tilespmem:v31+s9+$0x0], $0xffff;
	v31 =	vadd.s32 $0x2CA0, v50  }
0x75: {  	v35 =	vadd.s32 v33, v51;
	v54 =	vadd.f32 v5, v48;
	v56 =	vadd.s32 v52, v53;
	v50 =	vld [tilespmem:s18+$0x6300]  }
0x76: {  	v3 =	vld.idx.msk [tilespmem:v61+s9+$0x0], $0xffff;
	v55 =	vadd.s32 $0x2DB0, v35;
	v58 =	vadd.s32 $0x2EC0, v56;
	v61 =	vadd.f32 v20, v59  }
0x77: {  	v52 =	vld [tilespmem:s18+$0x6380];
	v8 =	vadd.f32 v19, v8;
	v56 =	vmul.u32 $0x88, v42;
	v13 =	vadd.f32 v13, v54  }
0x78: {  	v63 =	vadd.f32 v29, v61;
	v34 =	vmul.u32 $0x88, v57;
	v37 =	vmul.u32 $0x88, v60;
	v4 =	vld.idx.msk [tilespmem:v46+s9+$0x0], $0xffff  }
0x79: {  	v49 =	vmul.u32 $0x88, v38;
	v5 =	vld.idx.msk [tilespmem:v32+s9+$0x0], $0xffff;
	v13 =	vadd.f32 v25, v13;
	v32 =	vadd.s32 v41, v57  }
0x7a: {  	v41 =	vmul.u32 $0x88, v62;
	v51 =	vadd.s32 v38, v40;
	v28 =	vmul.u32 $0x88, v40;
	v10 =	vld.idx.msk [tilespmem:v31+s9+$0x0], $0xffff  }
0x7b: {  	v57 =	vmul.u32 $0x88, v45;
	v40 =	vmul.u32 $0x88, v47;
	v19 =	vadd.f32 v24, v63;
	v63 =	vld [tilespmem:s18+$0x7080]  }
0x7c: {  	v35 =	vadd.s32 v60, v32;
	v27 =	vadd.s32 v32, v33;
	v53 =	vadd.s32 v42, v51;
	v20 =	vld.idx.msk [tilespmem:v55+s9+$0x0], $0xffff  }
0x7d: {  	v60 =	vadd.s32 v47, v50;
	v16 =	vld.idx.msk [tilespmem:v58+s9+$0x0], $0xffff;
	v39 =	vadd.s32 v33, v35;
	v27 =	vadd.s32 v34, v27  }
0x7e: {  	v13 =	vadd.f32 v23, v13;
	v58 =	vld [tilespmem:s18+$0x7000];
	v27 =	vadd.s32 $0x2FD0, v27;
	v43 =	vadd.s32 v62, v39  }
0x7f: {  	v29 =	vadd.s32 v37, v39;
	v62 =	vadd.s32 v52, v60;
	v46 =	vadd.s32 v43, v41;
	v41 =	vld [tilespmem:s18+$0x7100]  }
0x80: {  	v44 =	vadd.s32 $0x30E0, v29;
	v26 =	vadd.f32 v26, v13;
	v7 =	vadd.s32 v43, v53;
	v53 =	vld [tilespmem:s18+$0x7200]  }
0x81: {  	v31 =	vadd.s32 v43, v38;
	v59 =	vadd.s32 v45, v7;
	v7 =	vadd.s32 v56, v7;
	v56 =	vld [tilespmem:s18+$0x7280]  }
0x82: {  	v30 =	vadd.s32 v51, v43;
	v43 =	vmul.u32 $0x88, v50;
	v42 =	vadd.s32 v47, v59;
	v47 =	vld [tilespmem:s18+$0x7180]  }
0x83: {  	v48 =	vadd.s32 $0x31F0, v46;
	v13 =	vadd.s32 v60, v59;
	v18 =	vadd.s32 v40, v42;
	v40 =	vld [tilespmem:s18+$0x8000]  }
0x84: {  	v24 =	vadd.s32 v49, v31;
	v55 =	vadd.s32 v28, v30;
	v13 =	vadd.s32 v43, v13;
	v43 =	vld [tilespmem:s18+$0x8080]  }
0x85: {  	v54 =	vadd.s32 $0x3300, v24;
	v24 =	vadd.s32 $0x3410, v55;
	v30 =	vadd.s32 v59, v62;
	v27 =	vld.idx.msk [tilespmem:v27+s9+$0x0], $0xffff  }
0x86: {  	v7 =	vadd.s32 $0x3520, v7;
	v51 =	vmul.u32 $0x88, v63;
	v45 =	vadd.s32 v58, v30;
	v31 =	vld.idx.msk [tilespmem:v44+s9+$0x0], $0xffff  }
0x87: {  	v61 =	vadd.s32 v59, v57;
	v35 =	vadd.s32 v45, v63;
	v50 =	vadd.s32 v63, v41;
	v63 =	vld [tilespmem:s18+$0x7300]  }
0x88: {  	v8 =	vadd.f32 v9, v8;
	v28 =	vadd.s32 $0x3630, v61;
	v32 =	vadd.s32 v51, v35;
	v51 =	vld [tilespmem:s18+$0x8200]  }
0x89: {  	v34 =	vld.idx.msk [tilespmem:v48+s9+$0x0], $0xffff  }
0x8a: {  	v14 =	vadd.f32 v14, v6;
	v15 =	vadd.f32 v15, v8;
	v38 =	vld.idx.msk [tilespmem:v54+s9+$0x0], $0xffff  }
0x8b: {  	v18 =	vadd.s32 $0x3740, v18;
	v44 =	vmul.u32 $0x88, v52;
	v24 =	vld.idx.msk [tilespmem:v24+s9+$0x0], $0xffff  }
0x8c: {  	v14 =	vadd.f32 v22, v14;
	v1 =	vadd.f32 v1, v15;
	v29 =	vld.idx.msk [tilespmem:v7+s9+$0x0], $0xffff  }
0x8d: {  	v49 =	vmul.u32 $0x88, v58;
	v52 =	vmul.u32 $0x88, v41;
	v46 =	vadd.s32 v44, v30;
	v7 =	vld.idx.msk [tilespmem:v28+s9+$0x0], $0xffff  }
0x8e: {  	v12 =	vadd.f32 v12, v26;
	v54 =	vadd.s32 v50, v45;
	v23 =	vadd.s32 $0x3960, v46;
	v46 =	vld [tilespmem:s18+$0x8100]  }
0x8f: {  	v48 =	vadd.s32 $0x3850, v13;
	v13 =	vadd.s32 v45, v49;
	v36 =	vadd.s32 v52, v54;
	v54 =	vld [tilespmem:s18+$0x8300]  }
0x90: {  	v61 =	vadd.f32 v11, v19;
	v55 =	vadd.s32 $0x3A70, v13;
	v57 =	vadd.s32 v47, v50;
	v13 =	vld.idx.msk [tilespmem:v18+s9+$0x0], $0xffff  }
0x91: {  	v25 =	vmul.u32 $0x88, v47;
	v59 =	vadd.s32 v45, v57;
	v60 =	vadd.s32 $0x3C90, v36;
	v36 =	vld [tilespmem:s18+$0x7380]  }
0x92: {  	v58 =	vadd.s32 $0x3B80, v32;
	v32 =	vmul.u32 $0x88, v53;
	v21 =	vadd.s32 v53, v59;
	v53 =	vld [tilespmem:s18+$0x8280]  }
0x93: {  	v12 =	vadd.f32 v0, v12;
	v17 =	vadd.f32 v17, v61;
	v62 =	vadd.s32 v25, v59;
	v59 =	vld [tilespmem:s18+$0x9000]  }
0x94: {  	v33 =	vmul.u32 $0x88, v56;
	v35 =	vadd.s32 v56, v21;
	v37 =	vadd.s32 v56, v63;
	v56 =	vld [tilespmem:s18+$0x8380]  }
0x95: {  	v4 =	vadd.f32 v4, v14;
	v3 =	vadd.f32 v3, v12;
	v25 =	vmul.u32 $0x88, v63;
	v63 =	vld [tilespmem:s18+$0x9080]  }
0x96: {  	v1 =	vadd.f32 v5, v1;
	v2 =	vadd.f32 v2, v17;
	v18 =	vld.idx.msk [tilespmem:v48+s9+$0x0], $0xffff  }
0x97: {  	v4 =	vadd.f32 v16, v4;
	v3 =	vadd.f32 v20, v3;
	v47 =	vmul.u32 $0x88, v40;
	v8 =	vld.idx.msk [tilespmem:v58+s9+$0x0], $0xffff  }
0x98: {  	v50 =	vmul.u32 $0x88, v43;
	v2 =	vadd.f32 v10, v2;
	v1 =	vadd.f32 v27, v1;
	v48 =	vld [tilespmem:s18+$0x8180]  }
0x99: {  	v19 =	vadd.s32 $0x3DA0, v62;
	v26 =	vadd.s32 v33, v35;
	v39 =	vadd.s32 v37, v21;
	v33 =	vld [tilespmem:s18+$0x9100]  }
0x9a: {  	v2 =	vadd.f32 v31, v2;
	v3 =	vadd.f32 v34, v3;
	v58 =	vmul.u32 $0x88, v51;
	v6 =	vld.idx.msk [tilespmem:v55+s9+$0x0], $0xffff  }
0x9b: {  	v26 =	vadd.s32 $0x3FC0, v26;
	v41 =	vadd.s32 v25, v39;
	v4 =	vadd.f32 v38, v4;
	v39 =	vld [tilespmem:s18+$0x9200]  }
0x9c: {  	v1 =	vadd.f32 v24, v1;
	v11 =	vld.idx.msk [tilespmem:v23+s9+$0x0], $0xffff;
	v23 =	vadd.s32 v21, v32;
	v42 =	vadd.s32 $0x40D0, v41  }
0x9d: {  	v14 =	vadd.s32 v43, v46;
	v16 =	vmul.u32 $0x88, v46;
	v2 =	vadd.f32 v29, v2;
	v46 =	vld [tilespmem:s18+$0x9300]  }
0x9e: {  	v24 =	vmul.u32 $0x88, v54;
	v3 =	vadd.f32 v7, v3;
	v9 =	vld.idx.msk [tilespmem:v60+s9+$0x0], $0xffff;
	v23 =	vadd.s32 $0x3EB0, v23  }
0x9f: {  	v44 =	vadd.s32 v36, v37;
	v45 =	vmul.u32 $0x88, v36;
	v60 =	vadd.s32 v53, v54;
	v36 =	vld [tilespmem:s18+$0x9180]  }
0xa0: {  	v61 =	vmul.u32 $0x88, v53;
	v35 =	vmul.u32 $0x88, v59;
	v0 =	vld.idx.msk [tilespmem:v19+s9+$0x0], $0xffff;
	v10 =	vadd.s32 v21, v44  }
0xa1: {  	v62 =	vadd.s32 v56, v60;
	v44 =	vld [tilespmem:s18+$0x9280];
	v19 =	vadd.s32 v45, v10;
	v10 =	vadd.s32 v40, v10  }
0xa2: {  	v55 =	vadd.s32 v48, v14;
	v41 =	vadd.s32 v63, v33;
	v27 =	vmul.u32 $0x88, v33;
	v33 =	vld [tilespmem:s18+$0xA000]  }
0xa3: {  	v34 =	vmul.u32 $0x88, v56;
	v21 =	vmul.u32 $0x88, v48;
	v17 =	vld.idx.msk [tilespmem:v26+s9+$0x0], $0xffff;
	v25 =	vadd.s32 v10, v55  }
0xa4: {  	v40 =	vmul.u32 $0x88, v63;
	v49 =	vadd.s32 $0x41E0, v19;
	v12 =	vld.idx.msk [tilespmem:v42+s9+$0x0], $0xffff;
	v22 =	vadd.s32 v51, v25  }
0xa5: {  	v20 =	vadd.s32 v10, v47;
	v52 =	vadd.s32 v10, v43;
	v5 =	vld.idx.msk [tilespmem:v23+s9+$0x0], $0xffff;
	v28 =	vadd.s32 v22, v62  }
0xa6: {  	v57 =	vadd.s32 v21, v25;
	v21 =	vadd.s32 v59, v28;
	v37 =	vadd.s32 v34, v28;
	v34 =	vld [tilespmem:s18+$0xA080]  }
0xa7: {  	v10 =	vadd.s32 v14, v10;
	v20 =	vadd.s32 $0x42F0, v20;
	v29 =	vadd.s32 v21, v63;
	v63 =	vld [tilespmem:s18+$0x9380]  }
0xa8: {  	v19 =	vadd.s32 v50, v52;
	v42 =	vadd.s32 v36, v41;
	v43 =	vadd.s32 v41, v21;
	v41 =	vld [tilespmem:s18+$0xA100]  }
0xa9: {  	v10 =	vadd.s32 v16, v10;
	v19 =	vadd.s32 $0x4400, v19;
	v47 =	vadd.s32 v21, v42;
	v42 =	vld [tilespmem:s18+$0xA180]  }
0xaa: {  	v10 =	vadd.s32 $0x4510, v10;
	v14 =	vadd.s32 $0x4620, v57;
	v16 =	vadd.s32 v22, v58;
	v15 =	vld.idx.msk [tilespmem:v49+s9+$0x0], $0xffff  }
0xab: {  	v23 =	vadd.s32 v53, v22;
	v22 =	vadd.s32 v60, v22;
	v28 =	vadd.s32 v40, v29;
	v29 =	vld [tilespmem:s18+$0xB200]  }
0xac: {  	v16 =	vadd.s32 $0x4730, v16;
	v23 =	vadd.s32 v61, v23;
	v7 =	vadd.s32 v39, v47;
	v20 =	vld.idx.msk [tilespmem:v20+s9+$0x0], $0xffff  }
0xad: {  	v56 =	vmul.u32 $0x88, v44;
	v58 =	vadd.s32 v44, v46;
	v59 =	vadd.s32 v44, v7;
	v44 =	vld [tilespmem:s18+$0xA200]  }
0xae: {  	v4 =	vadd.f32 v13, v4;
	v22 =	vadd.s32 v24, v22;
	v23 =	vadd.s32 $0x4840, v23;
	v19 =	vld.idx.msk [tilespmem:v19+s9+$0x0], $0xffff  }
0xaf: {  	v1 =	vadd.f32 v18, v1;
	v60 =	vmul.u32 $0x88, v46;
	v22 =	vadd.s32 $0x4950, v22;
	v10 =	vld.idx.msk [tilespmem:v10+s9+$0x0], $0xffff  }
0xb0: {  	v4 =	vadd.f32 v8, v4;
	v24 =	vadd.s32 $0x4A60, v37;
	v61 =	vadd.s32 v58, v7;
	v14 =	vld.idx.msk [tilespmem:v14+s9+$0x0], $0xffff  }
0xb1: {  	v3 =	vadd.f32 v6, v3;
	v2 =	vadd.f32 v11, v2;
	v62 =	vadd.s32 v60, v61;
	v60 =	vld [tilespmem:s18+$0xB100]  }
0xb2: {  	v52 =	vmul.u32 $0x88, v39;
	v45 =	vmul.u32 $0x88, v36;
	v38 =	vadd.s32 v21, v35;
	v16 =	vld.idx.msk [tilespmem:v16+s9+$0x0], $0xffff  }
0xb3: {  	v1 =	vadd.f32 v9, v1;
	v0 =	vadd.f32 v0, v2;
	v25 =	vadd.s32 $0x4B70, v38;
	v48 =	vld.idx.msk [tilespmem:v23+s9+$0x0], $0xffff  }
0xb4: {  	v27 =	vadd.s32 v27, v43;
	v51 =	vadd.s32 v45, v47;
	v4 =	vadd.f32 v17, v4;
	v50 =	vld.idx.msk [tilespmem:v22+s9+$0x0], $0xffff  }
0xb5: {  	v40 =	vmul.u32 $0x88, v33;
	v28 =	vadd.s32 $0x4C80, v28;
	v49 =	vadd.s32 $0x4D90, v27;
	v53 =	vld.idx.msk [tilespmem:v24+s9+$0x0], $0xffff  }
0xb6: {  	v55 =	vadd.s32 v7, v52;
	v1 =	vadd.f32 v12, v1;
	v22 =	vadd.s32 $0x4EA0, v51;
	v51 =	vld [tilespmem:s18+$0xA380]  }
0xb7: {  	v32 =	vadd.f32 v5, v3;
	v6 =	vadd.s32 $0x51D0, v62;
	v37 =	vadd.s32 v63, v58;
	v58 =	vld [tilespmem:s18+$0xB080]  }
0xb8: {  	v43 =	vmul.u32 $0x88, v34;
	v24 =	vadd.s32 $0x4FB0, v55;
	v38 =	vmul.u32 $0x88, v63;
	v63 =	vld [tilespmem:s18+$0xB180]  }
0xb9: {  	v5 =	vadd.s32 v34, v41;
	v54 =	vld.idx.msk [tilespmem:v25+s9+$0x0], $0xffff;
	v25 =	vadd.s32 v56, v59;
	v35 =	vadd.f32 v15, v0  }
0xba: {  	v7 =	vadd.s32 v7, v37;
	v15 =	vmul.u32 $0x88, v41;
	v37 =	vld [tilespmem:s18+$0xB380];
	v25 =	vadd.s32 $0x50C0, v25  }
0xbb: {  	v57 =	vld.idx.msk [tilespmem:v28+s9+$0x0], $0xffff;
	v2 =	vadd.f32 v20, v32;
	v39 =	vadd.s32 v38, v7;
	v3 =	vadd.s32 v33, v7  }
0xbc: {  	v23 =	vld.idx.msk [tilespmem:v49+s9+$0x0], $0xffff;
	v7 =	vmul.u32 $0x88, v42;
	v55 =	vmul.u32 $0x88, v44;
	v4 =	vadd.f32 v19, v4  }
0xbd: {  	v33 =	vld [tilespmem:s18+$0xB280];
	v10 =	vadd.f32 v10, v1;
	v9 =	vadd.f32 v14, v35;
	v14 =	vadd.s32 v3, v40  }
0xbe: {  	v45 =	vadd.s32 v3, v34;
	v52 =	vadd.s32 v5, v3;
	v5 =	vadd.s32 v42, v5;
	v34 =	vld [tilespmem:s18+$0xB300]  }
0xbf: {  	v19 =	vmul.u32 $0x88, v60;
	v1 =	vld.idx.msk [tilespmem:v6+s9+$0x0], $0xffff;
	v2 =	vadd.f32 v16, v2;
	v6 =	vadd.s32 $0x52E0, v39  }
0xc0: {  	v46 =	vadd.s32 $0x53F0, v14;
	v47 =	vadd.s32 v43, v45;
	v31 =	vld.idx.msk [tilespmem:v22+s9+$0x0], $0xffff;
	v4 =	vadd.f32 v48, v4  }
0xc1: {  	v3 =	vadd.s32 v3, v5;
	v10 =	vadd.f32 v50, v10;
	v48 =	vld [tilespmem:s18+$0xA280];
	v9 =	vadd.f32 v53, v9  }
0xc2: {  	v49 =	vadd.s32 $0x5500, v47;
	v50 =	vld [tilespmem:s18+$0xA300];
	v17 =	vadd.s32 v44, v3;
	v3 =	vadd.s32 v7, v3  }
0xc3: {  	v36 =	vld.idx.msk [tilespmem:v24+s9+$0x0], $0xffff;
	v27 =	vmul.u32 $0x88, v51;
	v30 =	vadd.s32 v58, v60;
	v20 =	vmul.u32 $0x88, v58  }
0xc4: {  	v53 =	vld [tilespmem:s18+$0xB000];
	v2 =	vadd.f32 v54, v2;
	v3 =	vadd.s32 $0x5720, v3;
	v4 =	vadd.f32 v57, v4  }
0xc5: {  	v42 =	vld [tilespmem:s18+$0xC080];
	v10 =	vadd.f32 v23, v10;
	v40 =	vmul.u32 $0x88, v33;
	v41 =	vadd.s32 v33, v34  }
0xc6: {  	v45 =	vld [tilespmem:s18+$0xC100];
	v23 =	vmul.u32 $0x88, v37;
	v44 =	vmul.u32 $0x88, v34;
	v43 =	vadd.s32 v37, v41  }
0xc7: {  	v8 =	vadd.f32 v31, v9;
	v9 =	vadd.s32 v15, v52;
	v56 =	vadd.s32 v48, v50  }
0xc8: {  	v2 =	vadd.f32 v36, v2;
	v62 =	vmul.u32 $0x88, v48;
	v14 =	vmul.u32 $0x88, v50  }
0xc9: {  	v16 =	vadd.s32 v48, v17;
	v28 =	vmul.u32 $0x88, v53;
	v31 =	vadd.s32 v63, v30  }
0xca: {  	v39 =	vld [tilespmem:s18+$0xC000];
	v36 =	vmul.u32 $0x88, v63;
	v15 =	vmul.u32 $0x88, v29;
	v48 =	vmul.u32 $0x88, v42  }
0xcb: {  	v11 =	vld.idx.msk [tilespmem:v49+s9+$0x0], $0xffff;
	v49 =	vmul.u32 $0x88, v45;
	v54 =	vadd.s32 $0x5610, v9;
	v9 =	vadd.s32 v17, v55  }
0xcc: {  	v0 =	vld.idx.msk [tilespmem:v25+s9+$0x0], $0xffff;
	v57 =	vadd.s32 v51, v56;
	v7 =	vadd.s32 v56, v17;
	v9 =	vadd.s32 $0x5830, v9  }
0xcd: {  	v13 =	vld.idx.msk [tilespmem:v46+s9+$0x0], $0xffff;
	v59 =	vadd.s32 v17, v57;
	v16 =	vadd.s32 v62, v16;
	v7 =	vadd.s32 v14, v7  }
0xce: {  	v46 =	vld [tilespmem:s18+$0xC180];
	v61 =	vadd.s32 v53, v59;
	v16 =	vadd.s32 $0x5940, v16;
	v12 =	vadd.s32 v27, v59  }
0xcf: {  	v6 =	vld.idx.msk [tilespmem:v6+s9+$0x0], $0xffff;
	v7 =	vadd.s32 $0x5A50, v7;
	v12 =	vadd.s32 $0x5B60, v12;
	v14 =	vadd.s32 v61, v28  }
0xd0: {  	v3 =	vld.idx.msk [tilespmem:v3+s9+$0x0], $0xffff;
	v32 =	vadd.s32 v61, v58;
	v18 =	vadd.s32 v61, v31;
	v17 =	vadd.s32 v30, v61  }
0xd1: {  	v14 =	vadd.s32 $0x5C70, v14;
	v35 =	vadd.s32 v29, v18;
	v20 =	vadd.s32 v20, v32;
	v5 =	vld.idx.msk [tilespmem:v54+s9+$0x0], $0xffff  }
0xd2: {  	v17 =	vadd.s32 v19, v17;
	v18 =	vadd.s32 v36, v18;
	v38 =	vadd.s32 $0x5D80, v20;
	v9 =	vld.idx.msk [tilespmem:v9+s9+$0x0], $0xffff  }
0xd3: {  	v50 =	vmul.u32 $0x88, v46;
	v17 =	vadd.s32 $0x5E90, v17;
	v18 =	vadd.s32 $0x5FA0, v18;
	v16 =	vld.idx.msk [tilespmem:v16+s9+$0x0], $0xffff  }
0xd4: {  	v15 =	vadd.s32 v35, v15;
	v24 =	vadd.s32 v33, v35;
	v28 =	vadd.s32 v35, v43;
	v7 =	vld.idx.msk [tilespmem:v7+s9+$0x0], $0xffff  }
0xd5: {  	v22 =	vadd.s32 v41, v35;
	v15 =	vadd.s32 $0x60B0, v15;
	v21 =	vadd.s32 v40, v24;
	v12 =	vld.idx.msk [tilespmem:v12+s9+$0x0], $0xffff  }
0xd6: {  	v20 =	vmul.u32 $0x88, v39;
	v22 =	vadd.s32 v44, v22;
	v21 =	vadd.s32 $0x61C0, v21;
	v14 =	vld.idx.msk [tilespmem:v14+s9+$0x0], $0xffff  }
0xd7: {  	v47 =	vadd.s32 v39, v28;
	v23 =	vadd.s32 v23, v28;
	v22 =	vadd.s32 $0x62D0, v22;
	v19 =	vld.idx.msk [tilespmem:v38+s9+$0x0], $0xffff  }
0xd8: {  	v23 =	vadd.s32 $0x63E0, v23;
	v20 =	vadd.s32 v47, v20;
	v24 =	vadd.s32 v47, v42;
	v17 =	vld.idx.msk [tilespmem:v17+s9+$0x0], $0xffff  }
0xd9: {  	v20 =	vadd.s32 $0x64F0, v20;
	v25 =	vadd.s32 v45, v24;
	v24 =	vadd.s32 v48, v24;
	v18 =	vld.idx.msk [tilespmem:v18+s9+$0x0], $0xffff  }
0xda: {  	v26 =	vadd.s32 v46, v25;
	v25 =	vadd.s32 v49, v25;
	v24 =	vadd.s32 $0x6600, v24;
	v15 =	vld.idx.msk [tilespmem:v15+s9+$0x0], $0xffff  }
0xdb: {  	v0 =	vadd.f32 v0, v4;
	v52 =	vadd.s32 $0x6710, v25;
	v53 =	vadd.s32 v26, v50;
	v51 =	vld.idx.msk [tilespmem:v21+s9+$0x0], $0xffff  }
0xdc: {  	v1 =	vadd.f32 v1, v10;
	v6 =	vadd.f32 v6, v8;
	v55 =	vadd.s32 $0x6820, v53;
	v54 =	vld.idx.msk [tilespmem:v22+s9+$0x0], $0xffff  }
0xdd: {  	v2 =	vadd.f32 v13, v2;
	v0 =	vadd.f32 v11, v0;
	v56 =	vld.idx.msk [tilespmem:v23+s9+$0x0], $0xffff  }
0xde: {  	v3 =	vadd.f32 v3, v6;
	v1 =	vadd.f32 v5, v1;
	v57 =	vld.idx.msk [tilespmem:v20+s9+$0x0], $0xffff  }
0xdf: {  	v2 =	vadd.f32 v9, v2;
	v0 =	vadd.f32 v16, v0;
	v58 =	vld.idx.msk [tilespmem:v24+s9+$0x0], $0xffff  }
0xe0: {  	v1 =	vadd.f32 v7, v1;
	v3 =	vadd.f32 v12, v3;
	v59 =	vld.idx.msk [tilespmem:v52+s9+$0x0], $0xffff  }
0xe1: {  	v2 =	vadd.f32 v14, v2;
	v0 =	vadd.f32 v19, v0;
	v60 =	vld.idx.msk [tilespmem:v55+s9+$0x0], $0xffff  }
0xe2: {  	v61 =	vadd.s32 $0x6930, v26;
	v1 =	vadd.f32 v17, v1;
	v3 =	vadd.f32 v18, v3  }
0xe3: {  	v2 =	vadd.f32 v15, v2;
	v0 =	vadd.f32 v51, v0  }
0xe4: {  	v1 =	vadd.f32 v54, v1;
	v3 =	vadd.f32 v56, v3  }
0xe5: {  	v2 =	vadd.f32 v57, v2;
	v0 =	vadd.f32 v58, v0  }
0xe6: {  	v1 =	vadd.f32 v59, v1;
	v3 =	vadd.f32 v60, v3  }
0xe7: {  	v62 =	vld.idx.msk [tilespmem:v61+s9+$0x0], $0xffff  }
0xe8: {  	v0 =	vadd.f32 v1, v0;
	v63 =	vadd.f32 v3, v2  }
0xe9: {  	p0 =	sne.s32 s17, $0x1F0  }
.Ltmp0:
0xea: {  	v0 =	vadd.f32 v63, v0;
	(pc) =	sbr.rel @p0 .LBB2_2-.Ltmp0, $3  }
0xeb: {  	_ = 	snop  }
0xec: {  	v0 =	vadd.f32 v0, v62;
	_ =	sdelay $0x1  }
0xed: {  	s16 =	sadd.s32 $0x80, s16;
	s17 =	sadd.s32 $0x10, s17;
	[tilespmem:s15+$0x0] =	vst v0;
	s15 =	sadd.s32 $0x10, s15  }
0xee: {  	s14 =	sadd.s32 $0x1, s14  }
0xef: {  	p0 =	sne.s32 s14, s6  }
.Ltmp1:
0xf0: {  	_ = 	snop;
	(pc) =	sbr.rel @p0 .LBB2_1-.Ltmp1, $4  }
0xf1: {  	[hbm4b:s5+s2] =	stream.linear.scatter [tilespmem:s12], [sflag:$0x3], $0x200, $0x38;
	[tilespmem:$0x13C80] =	vst v63  }
0xf2: {  	_ =	swait.ge [sflag:s13], $0x200  }
0xf3: {  	[sflag:s13] =	ssyncset.done $0x0  }
0xf4: {  	[sflag:s13] =	ssyncadd.s32 $0xFFFFFE00  }
0xf5: {  	_ =	sfence.sel $0x180000  }
0xf6: {  	[bflag:$0x0] =	sbarrier.arrive $0xFFFF  }
0xf7: {  	p0 =	sne.s32 s1, $0x0;
	_ =	strace $0x90000047  }
0xf8: {  	s0 =	sadd.s32 @!p0 $0x100000, s0;
	[bflag:$0x2] =	sbarrier.arrive $0xFFFF  }
0xf9: {  	[sflag:s0] =	ssyncadd.tile.s32 @!p0 $0x1;
	_ =	shalt  }
.Lfunc_end2:
_tile_overlayer_lowered:
.L_overlay_start_2:
0xfa: {  	(tag) =	ssettag $0x2  }
0xfb: {  	s0 =	rddreg [dreg:$0x0];
	s2 =	stileid.u32  }
0xfc: {  	s1 =	rddreg [dreg:$0x1];
	p0 =	sne.s32 s2, $0x0  }
0xfd: {  	s3 =	rddreg [dreg:$0x2];
	[bflag:$0x3] =	sbarrier.arrive $0xFFFF;
	s2 =	simm.s32 @!p0 $0x1C03  }
0xfe: {  	[timem:s3], [sflag:s2] =	dma.local @!p0 [hbm:s0], s1  }
0xff: {  	s0 =	simm.s32 @!p0 $0x3  }
0x100: {  	_ =	swait.ge @!p0 [sflag:s0], s1  }
0x101: {  	s1 =	ssub.s32 @!p0 $0x0, s1;
	[sflag:s0] =	ssyncset.done @!p0 $0x0  }
0x102: {  	[sflag:s0] =	ssyncadd.s32 @!p0 s1  }
0x103: {  	[bflag:$0x3] =	sbarrier.arrive $0xFFFF  }
0x104: {  	_ =	shalt  }

</sc_bundles>
